<compile_context>
chip_gen: v7x
topology: tpu7x:2x2x1
jax: 0.10.2.dev20260603
libtpu: 0.0.44.dev20260713+nightly
codegen_flags: <defaults>
</compile_context>

<pallas_src>
import functools

import jax
import jax.numpy as jnp
from jax import lax
from jax.experimental import pallas as pl
from jax.experimental.pallas import tpu as pltpu
from jax.experimental.pallas import tpu_sc as plsc

_N_NODES = 100000
_N_CLASSES = 16
_N_EDGES = 6400000

_NC = 2
_NS = 16
_NW = _NC * _NS
_CHUNK = 2560
_N_CHUNKS = _N_EDGES // _CHUNK
_NBUF = 3
_KMAX = -(-_N_CHUNKS // _NW)
_KMAX += (-_KMAX) % _NBUF
_UNROLL = 16
_TABLE_WORDS = _N_NODES


def _argmax_body(xt_ref, out_ref):
    x = xt_ref[...]
    m = jnp.max(x, axis=0)
    idx = lax.broadcasted_iota(jnp.int32, x.shape, 0)
    cand = jnp.where(x == m[None, :], idx, _N_CLASSES)
    out_ref[...] = jnp.min(cand, axis=0)


def _compute_classes_packed(kg_onehot):
    xt = kg_onehot.T
    return pl.pallas_call(
        _argmax_body,
        out_shape=jax.ShapeDtypeStruct((_N_NODES,), jnp.int32),
    )(xt)


def _sc_edge_body(cls_hbm, edge_hbm, bias_hbm, out_hbm,
                  table_v, ebuf0_v, ebuf1_v, ebuf2_v,
                  out0_v, out1_v, out2_v, bias_v,
                  in_sem0, in_sem1, in_sem2, out_sem0, out_sem1, out_sem2):
    c = lax.axis_index("c")
    s = lax.axis_index("s")
    wid = s * _NC + c
    nk = (_N_CHUNKS - wid + _NW - 1) // _NW
    ebuf = (ebuf0_v, ebuf1_v, ebuf2_v)
    outb = (out0_v, out1_v, out2_v)
    in_sems = (in_sem0, in_sem1, in_sem2)
    out_sems = (out_sem0, out_sem1, out_sem2)

    def in_copy(k, b):
        off = (wid + k * _NW) * _CHUNK
        return pltpu.make_async_copy(
            edge_hbm.at[:, pl.ds(off, _CHUNK)], ebuf[b], in_sems[b])

    def out_copy(k, b):
        off = (wid + k * _NW) * _CHUNK
        return pltpu.make_async_copy(
            outb[b], out_hbm.at[pl.ds(off, _CHUNK)], out_sems[b])

    @pl.when(0 < nk)
    def _():
        in_copy(0, 0).start()

    @pl.when(1 < nk)
    def _():
        in_copy(1, 1).start()

    pltpu.sync_copy(cls_hbm, table_v)
    pltpu.sync_copy(bias_hbm, bias_v)
    bias = bias_v[...]
    zero = jnp.zeros((16,), jnp.float32)
    lanes = lax.broadcasted_iota(jnp.int32, (16,), 0)
    row0 = jnp.zeros((16,), jnp.int32)
    row1 = jnp.ones((16,), jnp.int32)

    def compute(b):
        eb = ebuf[b]
        ob = outb[b]

        @plsc.parallel_loop(0, _CHUNK, step=16, unroll=_UNROLL)
        def inner(ii):
            col = lanes + ii
            sidx = plsc.load_gather(eb, [row0, col])
            didx = plsc.load_gather(eb, [row1, col])
            cs = plsc.load_gather(table_v, [sidx])
            cd = plsc.load_gather(table_v, [didx])
            ob[pl.ds(ii, 16)] = jnp.where(cs == cd, bias, zero)

    @pl.loop(0, _KMAX, step=_NBUF)
    def ring(kb):
        for b in range(_NBUF):
            k = kb + b

            @pl.when(k + 2 < nk)
            def _():
                in_copy(k + 2, (b + 2) % _NBUF).start()

            @pl.when(k < nk)
            def _():
                in_copy(k, b).wait()

            @pl.when(jnp.logical_and(k >= _NBUF, k - _NBUF < nk))
            def _():
                out_copy(k - _NBUF, b).wait()

            @pl.when(k < nk)
            def _():
                compute(b)
                out_copy(k, b).start()

    for b in range(_NBUF):
        k = _KMAX - _NBUF + b

        @pl.when(k < nk)
        def _():
            out_copy(k, b).wait()


def _sc_edge_kernel(cls_packed, edge_index, bias_vec):
    mesh = plsc.VectorSubcoreMesh(core_axis_name="c", subcore_axis_name="s")
    f = functools.partial(
        pl.kernel,
        mesh=mesh,
        compiler_params=pltpu.CompilerParams(needs_layout_passes=False),
        out_type=jax.ShapeDtypeStruct((_N_EDGES,), jnp.float32),
        scratch_types=[
            pltpu.VMEM((_TABLE_WORDS,), jnp.int32),
            pltpu.VMEM((2, _CHUNK), jnp.int32),
            pltpu.VMEM((2, _CHUNK), jnp.int32),
            pltpu.VMEM((2, _CHUNK), jnp.int32),
            pltpu.VMEM((_CHUNK,), jnp.float32),
            pltpu.VMEM((_CHUNK,), jnp.float32),
            pltpu.VMEM((_CHUNK,), jnp.float32),
            pltpu.VMEM((16,), jnp.float32),
            pltpu.SemaphoreType.DMA,
            pltpu.SemaphoreType.DMA,
            pltpu.SemaphoreType.DMA,
            pltpu.SemaphoreType.DMA,
            pltpu.SemaphoreType.DMA,
            pltpu.SemaphoreType.DMA,
        ],
    )(_sc_edge_body)
    return f(cls_packed, edge_index, bias_vec)


def kernel(kg_onehot, edge_index, same_class_bias):
    cls_packed = _compute_classes_packed(kg_onehot)
    bias_vec = jnp.full((16,), same_class_bias, jnp.float32)
    return _sc_edge_kernel(cls_packed, edge_index, bias_vec)

# --- scband reference (transcript-rebuilt; emitter-appended) ---
"""Pipeline reference for scband-kgedge-bias-46797963657507 (READ-ONLY COPY).

The authoritative reference and input builder live on the scoring server;
editing this copy changes nothing except your own understanding.
"""

import jax, jax.numpy as jnp
import numpy as np

N_NODES = 100000
N_EDGES = 6400000
N_CLASSES = 16


def setup_inputs(seed: int = 0) -> dict:
    key = jax.random.key(seed)
    k1, k2 = jax.random.split(key)
    kg_onehot = jax.random.normal(k1, (N_NODES, N_CLASSES), dtype=jnp.float32)
    edge_index = jax.random.randint(k2, (2, N_EDGES), 0, N_NODES, dtype=jnp.int64 if jax.config.jax_enable_x64 else jnp.int32)
    same_class_bias = jnp.asarray(0.5, dtype=jnp.float32)
    return {"kg_onehot": kg_onehot, "edge_index": edge_index, "same_class_bias": same_class_bias}


def reference(kg_onehot, edge_index, same_class_bias):
    src = edge_index[0]
    dst = edge_index[1]
    kg_class = jnp.argmax(kg_onehot, axis=-1)
    same_class = (jnp.take(kg_class, src, axis=0) == jnp.take(kg_class, dst, axis=0)).astype(jnp.float32)
    return same_class * same_class_bias

if __name__ == "__main__":
    import jax
    _d = setup_inputs()
    print(jax.jit(kernel)(*tuple(_d.values())))

</pallas_src>

<mosaic_0001>
#map = affine_map<(d0, d1) -> (0)>
#map1 = affine_map<(d0, d1) -> (0, 0)>
module attributes {stable_mosaic.version = 14 : i64} {
  func.func @_sc_edge_body(%arg0: i32, %arg1: i32, %arg2: memref<100000xi32, #tpu.memory_space<hbm>>, %arg3: memref<2x6400000xi32, #tpu.memory_space<hbm>>, %arg4: memref<16xf32, #tpu.memory_space<hbm>>, %arg5: memref<6400000xf32, #tpu.memory_space<hbm>>, %arg6: memref<100000xi32, #tpu.memory_space<vmem>>, %arg7: memref<2x2560xi32, #tpu.memory_space<vmem>>, %arg8: memref<2x2560xi32, #tpu.memory_space<vmem>>, %arg9: memref<2x2560xi32, #tpu.memory_space<vmem>>, %arg10: memref<2560xf32, #tpu.memory_space<vmem>>, %arg11: memref<2560xf32, #tpu.memory_space<vmem>>, %arg12: memref<2560xf32, #tpu.memory_space<vmem>>, %arg13: memref<16xf32, #tpu.memory_space<vmem>>, %arg14: memref<!tpu.dma_semaphore, #tpu.memory_space<semaphore_mem>>, %arg15: memref<!tpu.dma_semaphore, #tpu.memory_space<semaphore_mem>>, %arg16: memref<!tpu.dma_semaphore, #tpu.memory_space<semaphore_mem>>, %arg17: memref<!tpu.dma_semaphore, #tpu.memory_space<semaphore_mem>>, %arg18: memref<!tpu.dma_semaphore, #tpu.memory_space<semaphore_mem>>, %arg19: memref<!tpu.dma_semaphore, #tpu.memory_space<semaphore_mem>>) attributes {dimension_semantics = [#tpu.dimension_semantics<core_parallel>, #tpu.dimension_semantics<subcore_parallel>], iteration_bounds = array<i64: 2, 16>, scalar_prefetch = 0 : i64, scratch_operands = 14 : i64, tpu.core_type = #tpu.core_type<sc_vector_subcore>, window_params = [{transform_indices = #map}, {transform_indices = #map1}, {transform_indices = #map}, {transform_indices = #map}]} {
    %mul3A = arith.constant 2 : i32
    %mul3A_0 = arith.muli %arg1, %mul3A : i32
    %add3A = arith.addi %mul3A_0, %arg0 : i32
    %sub3A = arith.constant 2500 : i32
    %sub3A_1 = arith.subi %sub3A, %add3A : i32
    %add3A_2 = arith.constant 32 : i32
    %add3A_3 = arith.addi %sub3A_1, %add3A_2 : i32
    %sub3A_4 = arith.constant 1 : i32
    %sub3A_5 = arith.subi %add3A_3, %sub3A_4 : i32
    %jit3A = arith.constant 32 : i32
    %div3A = arith.divsi %sub3A_5, %jit3A : i32
    %sign3A = arith.constant 0 : i32
    %sign3A_6 = arith.cmpi sgt, %sub3A_5, %sign3A : i32
    %sign3A_7 = arith.extui %sign3A_6 : i1 to i32
    %sign3A_8 = arith.constant 0 : i32
    %sign3A_9 = arith.cmpi slt, %sub3A_5, %sign3A_8 : i32
    %sign3A_10 = arith.extui %sign3A_9 : i1 to i32
    %sign3A_11 = arith.subi %sign3A_7, %sign3A_10 : i32
    %sign3A_12 = arith.constant 0 : i32
    %sign3A_13 = arith.cmpi sgt, %jit3A, %sign3A_12 : i32
    %sign3A_14 = arith.extui %sign3A_13 : i1 to i32
    %sign3A_15 = arith.constant 0 : i32
    %sign3A_16 = arith.cmpi slt, %jit3A, %sign3A_15 : i32
    %sign3A_17 = arith.extui %sign3A_16 : i1 to i32
    %sign3A_18 = arith.subi %sign3A_14, %sign3A_17 : i32
    %ne3A = arith.cmpi ne, %sign3A_11, %sign3A_18 : i32
    %rem3A = arith.remsi %sub3A_5, %jit3A : i32
    %ne3A_19 = arith.constant 0 : i32
    %ne3A_20 = arith.cmpi ne, %rem3A, %ne3A_19 : i32
    %and3A = arith.andi %ne3A, %ne3A_20 : i1
    %sub3A_21 = arith.constant 1 : i32
    %sub3A_22 = arith.subi %div3A, %sub3A_21 : i32
    %select_n3A = arith.select %and3A, %sub3A_22, %div3A : i32
    %gt3A = arith.constant 0 : i32
    %gt3A_23 = arith.cmpi sgt, %select_n3A, %gt3A : i32
    %convert_element_type3A = arith.extui %gt3A_23 : i1 to i32
    %cond3A = arith.constant 0 : i32
    %cond3A_24 = arith.cmpi ne, %convert_element_type3A, %cond3A : i32
    scf.if %cond3A_24 {
      %add3A_55 = arith.constant 0 : i32
      %add3A_56 = arith.addi %add3A, %add3A_55 : i32
      %mul3A_57 = arith.constant 2560 : i32
      %mul3A_58 = arith.muli %add3A_56, %mul3A_57 : i32
      %dma_start3A = arith.constant 0 : i32
      %dma_start3A_59 = tpu.memref_slice %arg3[%dma_start3A, %mul3A_58] : memref<2x6400000xi32, #tpu.memory_space<hbm>> -> memref<2x2560xi32, #tpu.memory_space<hbm>>
      %dma_start3A_60 = arith.constant 0 : i32
      %dma_start3A_61 = tpu.memref_slice %arg3[%dma_start3A_60, %mul3A_58] : memref<2x6400000xi32, #tpu.memory_space<hbm>> -> memref<2x2560xi32, #tpu.memory_space<hbm>>
      tpu.enqueue_dma source(%dma_start3A_61 : memref<2x2560xi32, #tpu.memory_space<hbm>>) target(%arg7 : memref<2x2560xi32, #tpu.memory_space<vmem>>) target_semaphore(%arg14 : memref<!tpu.dma_semaphore, #tpu.memory_space<semaphore_mem>>)
    } else {
    }
    %gt3A_25 = arith.constant 1 : i32
    %gt3A_26 = arith.cmpi sgt, %select_n3A, %gt3A_25 : i32
    %convert_element_type3A_27 = arith.extui %gt3A_26 : i1 to i32
    %cond3A_28 = arith.constant 0 : i32
    %cond3A_29 = arith.cmpi ne, %convert_element_type3A_27, %cond3A_28 : i32
    scf.if %cond3A_29 {
      %add3A_55 = arith.constant 32 : i32
      %add3A_56 = arith.addi %add3A, %add3A_55 : i32
      %mul3A_57 = arith.constant 2560 : i32
      %mul3A_58 = arith.muli %add3A_56, %mul3A_57 : i32
      %dma_start3A = arith.constant 0 : i32
      %dma_start3A_59 = tpu.memref_slice %arg3[%dma_start3A, %mul3A_58] : memref<2x6400000xi32, #tpu.memory_space<hbm>> -> memref<2x2560xi32, #tpu.memory_space<hbm>>
      %dma_start3A_60 = arith.constant 0 : i32
      %dma_start3A_61 = tpu.memref_slice %arg3[%dma_start3A_60, %mul3A_58] : memref<2x6400000xi32, #tpu.memory_space<hbm>> -> memref<2x2560xi32, #tpu.memory_space<hbm>>
      tpu.enqueue_dma source(%dma_start3A_61 : memref<2x2560xi32, #tpu.memory_space<hbm>>) target(%arg8 : memref<2x2560xi32, #tpu.memory_space<vmem>>) target_semaphore(%arg15 : memref<!tpu.dma_semaphore, #tpu.memory_space<semaphore_mem>>)
    } else {
    }
    "tpu.region"() ({
      %run_scoped3A = tpu.sem_alloc : memref<!tpu.dma_semaphore, #tpu.memory_space<semaphore_mem>>
      tpu.enqueue_dma source(%arg2 : memref<100000xi32, #tpu.memory_space<hbm>>) target(%arg6 : memref<100000xi32, #tpu.memory_space<vmem>>) target_semaphore(%run_scoped3A : memref<!tpu.dma_semaphore, #tpu.memory_space<semaphore_mem>>)
      tpu.wait_dma2 semaphore(%run_scoped3A : memref<!tpu.dma_semaphore, #tpu.memory_space<semaphore_mem>>) src(%arg2 : memref<100000xi32, #tpu.memory_space<hbm>>) dst(%arg6 : memref<100000xi32, #tpu.memory_space<vmem>>)
      tpu.yield
    }) : () -> ()
    "tpu.region"() ({
      %run_scoped3A = tpu.sem_alloc : memref<!tpu.dma_semaphore, #tpu.memory_space<semaphore_mem>>
      tpu.enqueue_dma source(%arg4 : memref<16xf32, #tpu.memory_space<hbm>>) target(%arg13 : memref<16xf32, #tpu.memory_space<vmem>>) target_semaphore(%run_scoped3A : memref<!tpu.dma_semaphore, #tpu.memory_space<semaphore_mem>>)
      tpu.wait_dma2 semaphore(%run_scoped3A : memref<!tpu.dma_semaphore, #tpu.memory_space<semaphore_mem>>) src(%arg4 : memref<16xf32, #tpu.memory_space<hbm>>) dst(%arg13 : memref<16xf32, #tpu.memory_space<vmem>>)
      tpu.yield
    }) : () -> ()
    %get3A = arith.constant 0 : index
    %get3A_30 = tpu.vector_load %arg13[%get3A] {strides = array<i32>} : memref<16xf32, #tpu.memory_space<vmem>>, vector<16xf32>,
    %broadcast_in_dim3A = arith.constant 0.000000e+00 : f32
    %broadcast_in_dim3A_31 = vector.broadcast %broadcast_in_dim3A : f32 to vector<16xf32>
    %iota3A = tpu.iota {dimensions = array<i32: 0>} : vector<16xi32>
    %broadcast_in_dim3A_32 = arith.constant 0 : i32
    %broadcast_in_dim3A_33 = vector.broadcast %broadcast_in_dim3A_32 : i32 to vector<16xi32>
    %broadcast_in_dim3A_34 = arith.constant 1 : i32
    %broadcast_in_dim3A_35 = vector.broadcast %broadcast_in_dim3A_34 : i32 to vector<16xi32>
    %scan3A = arith.constant 0 : i32
    %scan3A_36 = arith.constant 27 : i32
    %scan3A_37 = arith.addi %scan3A, %scan3A_36 : i32
    %scan3A_38 = arith.constant 1 : i32
    scf.for %scan3A_55 = %scan3A to %scan3A_37 step %scan3A_38  : i32 {
      %mul3A_56 = arith.constant 3 : i32
      %mul3A_57 = arith.muli %scan3A_55, %mul3A_56 : i32
      %add3A_58 = arith.constant 0 : i32
      %add3A_59 = arith.addi %add3A_58, %mul3A_57 : i32
      %add3A_60 = arith.constant 0 : i32
      %add3A_61 = arith.addi %add3A_59, %add3A_60 : i32
      %add3A_62 = arith.constant 2 : i32
      %add3A_63 = arith.addi %add3A_61, %add3A_62 : i32
      %lt3A = arith.cmpi slt, %add3A_63, %select_n3A : i32
      %convert_element_type3A_64 = arith.extui %lt3A : i1 to i32
      %cond3A_65 = arith.constant 0 : i32
      %cond3A_66 = arith.cmpi ne, %convert_element_type3A_64, %cond3A_65 : i32
      scf.if %cond3A_66 {
        %add3A_133 = arith.constant 2 : i32
        %add3A_134 = arith.addi %add3A_61, %add3A_133 : i32
        %mul3A_135 = arith.constant 32 : i32
        %mul3A_136 = arith.muli %add3A_134, %mul3A_135 : i32
        %add3A_137 = arith.addi %add3A, %mul3A_136 : i32
        %mul3A_138 = arith.constant 2560 : i32
        %mul3A_139 = arith.muli %add3A_137, %mul3A_138 : i32
        %dma_start3A = arith.constant 0 : i32
        %dma_start3A_140 = tpu.memref_slice %arg3[%dma_start3A, %mul3A_139] : memref<2x6400000xi32, #tpu.memory_space<hbm>> -> memref<2x2560xi32, #tpu.memory_space<hbm>>
        %dma_start3A_141 = arith.constant 0 : i32
        %dma_start3A_142 = tpu.memref_slice %arg3[%dma_start3A_141, %mul3A_139] : memref<2x6400000xi32, #tpu.memory_space<hbm>> -> memref<2x2560xi32, #tpu.memory_space<hbm>>
        tpu.enqueue_dma source(%dma_start3A_142 : memref<2x2560xi32, #tpu.memory_space<hbm>>) target(%arg9 : memref<2x2560xi32, #tpu.memory_space<vmem>>) target_semaphore(%arg16 : memref<!tpu.dma_semaphore, #tpu.memory_space<semaphore_mem>>)
      } else {
      }
      %lt3A_67 = arith.cmpi slt, %add3A_61, %select_n3A : i32
      %convert_element_type3A_68 = arith.extui %lt3A_67 : i1 to i32
      %cond3A_69 = arith.constant 0 : i32
      %cond3A_70 = arith.cmpi ne, %convert_element_type3A_68, %cond3A_69 : i32
      scf.if %cond3A_70 {
        %mul3A_133 = arith.constant 32 : i32
        %mul3A_134 = arith.muli %add3A_61, %mul3A_133 : i32
        %add3A_135 = arith.addi %add3A, %mul3A_134 : i32
        %mul3A_136 = arith.constant 2560 : i32
        %mul3A_137 = arith.muli %add3A_135, %mul3A_136 : i32
        %dma_wait3A = arith.constant 0 : i32
        %dma_wait3A_138 = tpu.memref_slice %arg3[%dma_wait3A, %mul3A_137] : memref<2x6400000xi32, #tpu.memory_space<hbm>> -> memref<2x2560xi32, #tpu.memory_space<hbm>>
        %dma_wait3A_139 = arith.constant 0 : i32
        %dma_wait3A_140 = tpu.memref_slice %arg3[%dma_wait3A_139, %mul3A_137] : memref<2x6400000xi32, #tpu.memory_space<hbm>> -> memref<2x2560xi32, #tpu.memory_space<hbm>>
        tpu.wait_dma2 semaphore(%arg14 : memref<!tpu.dma_semaphore, #tpu.memory_space<semaphore_mem>>) src(%dma_wait3A_140 : memref<2x2560xi32, #tpu.memory_space<hbm>>) dst(%arg7 : memref<2x2560xi32, #tpu.memory_space<vmem>>)
      } else {
      }
      %ge3A = arith.constant 3 : i32
      %ge3A_71 = arith.cmpi sge, %add3A_61, %ge3A : i32
      %sub3A_72 = arith.constant 3 : i32
      %sub3A_73 = arith.subi %add3A_61, %sub3A_72 : i32
      %lt3A_74 = arith.cmpi slt, %sub3A_73, %select_n3A : i32
      %and3A_75 = arith.andi %ge3A_71, %lt3A_74 : i1
      %convert_element_type3A_76 = arith.extui %and3A_75 : i1 to i32
      %cond3A_77 = arith.constant 0 : i32
      %cond3A_78 = arith.cmpi ne, %convert_element_type3A_76, %cond3A_77 : i32
      scf.if %cond3A_78 {
        %sub3A_133 = arith.constant 3 : i32
        %sub3A_134 = arith.subi %add3A_61, %sub3A_133 : i32
        %mul3A_135 = arith.constant 32 : i32
        %mul3A_136 = arith.muli %sub3A_134, %mul3A_135 : i32
        %add3A_137 = arith.addi %add3A, %mul3A_136 : i32
        %mul3A_138 = arith.constant 2560 : i32
        %mul3A_139 = arith.muli %add3A_137, %mul3A_138 : i32
        %dma_wait3A = tpu.memref_slice %arg5[%mul3A_139] : memref<6400000xf32, #tpu.memory_space<hbm>> -> memref<2560xf32, #tpu.memory_space<hbm>>
        %dma_wait3A_140 = tpu.memref_slice %arg5[%mul3A_139] : memref<6400000xf32, #tpu.memory_space<hbm>> -> memref<2560xf32, #tpu.memory_space<hbm>>
        tpu.wait_dma2 semaphore(%arg17 : memref<!tpu.dma_semaphore, #tpu.memory_space<semaphore_mem>>) src(%arg10 : memref<2560xf32, #tpu.memory_space<vmem>>) dst(%dma_wait3A_140 : memref<2560xf32, #tpu.memory_space<hbm>>)
      } else {
      }
      %lt3A_79 = arith.cmpi slt, %add3A_61, %select_n3A : i32
      %convert_element_type3A_80 = arith.extui %lt3A_79 : i1 to i32
      %cond3A_81 = arith.constant 0 : i32
      %cond3A_82 = arith.cmpi ne, %convert_element_type3A_80, %cond3A_81 : i32
      scf.if %cond3A_82 {
        %parallel_loop3A = arith.constant 0 : i32
        %parallel_loop3A_133 = arith.constant 2560 : i32
        %parallel_loop3A_134 = arith.constant 16 : i32
        scf.for %parallel_loop3A_141 = %parallel_loop3A to %parallel_loop3A_133 step %parallel_loop3A_134  : i32 {
          %parallel_loop3A_142 = vector.broadcast %parallel_loop3A_141 : i32 to vector<16xi32>
          %parallel_loop3A_143 = arith.addi %iota3A, %parallel_loop3A_142 : vector<16xi32>
          %parallel_loop3A_144 = tpu.vector_load_idx %arg7[%broadcast_in_dim3A_33, %parallel_loop3A_143] : memref<2x2560xi32, #tpu.memory_space<vmem>>[vector<16xi32>, vector<16xi32>], vector<16xi32>,
          %parallel_loop3A_145 = tpu.vector_load_idx %arg7[%broadcast_in_dim3A_35, %parallel_loop3A_143] : memref<2x2560xi32, #tpu.memory_space<vmem>>[vector<16xi32>, vector<16xi32>], vector<16xi32>,
          %parallel_loop3A_146 = tpu.vector_load_idx %arg6[%parallel_loop3A_144] : memref<100000xi32, #tpu.memory_space<vmem>>[vector<16xi32>], vector<16xi32>,
          %parallel_loop3A_147 = tpu.vector_load_idx %arg6[%parallel_loop3A_145] : memref<100000xi32, #tpu.memory_space<vmem>>[vector<16xi32>], vector<16xi32>,
          %parallel_loop3A_148 = arith.cmpi eq, %parallel_loop3A_146, %parallel_loop3A_147 : vector<16xi32>
          %parallel_loop3A_149 = arith.select %parallel_loop3A_148, %get3A_30, %broadcast_in_dim3A_31 : vector<16xi1>, vector<16xf32>
          %parallel_loop3A_150 = arith.index_cast %parallel_loop3A_141 : i32 to index
          %parallel_loop3A_151 = tpu.vector_load %arg10[%parallel_loop3A_150] {strides = array<i32>} : memref<2560xf32, #tpu.memory_space<vmem>>, vector<16xf32>,
          tpu.vector_store %arg10[%parallel_loop3A_150], %parallel_loop3A_149 {strides = array<i32>} : memref<2560xf32, #tpu.memory_space<vmem>>, vector<16xf32>,
        } {sc.loop_unroll_factor = 16 : i64, sc.parallel_access}
        %mul3A_135 = arith.constant 32 : i32
        %mul3A_136 = arith.muli %add3A_61, %mul3A_135 : i32
        %add3A_137 = arith.addi %add3A, %mul3A_136 : i32
        %mul3A_138 = arith.constant 2560 : i32
        %mul3A_139 = arith.muli %add3A_137, %mul3A_138 : i32
        %dma_start3A = tpu.memref_slice %arg5[%mul3A_139] : memref<6400000xf32, #tpu.memory_space<hbm>> -> memref<2560xf32, #tpu.memory_space<hbm>>
        %dma_start3A_140 = tpu.memref_slice %arg5[%mul3A_139] : memref<6400000xf32, #tpu.memory_space<hbm>> -> memref<2560xf32, #tpu.memory_space<hbm>>
        tpu.enqueue_dma source(%arg10 : memref<2560xf32, #tpu.memory_space<vmem>>) target(%dma_start3A_140 : memref<2560xf32, #tpu.memory_space<hbm>>) target_semaphore(%arg17 : memref<!tpu.dma_semaphore, #tpu.memory_space<semaphore_mem>>)
      } else {
      }
      %add3A_83 = arith.constant 1 : i32
      %add3A_84 = arith.addi %add3A_59, %add3A_83 : i32
      %add3A_85 = arith.constant 2 : i32
      %add3A_86 = arith.addi %add3A_84, %add3A_85 : i32
      %lt3A_87 = arith.cmpi slt, %add3A_86, %select_n3A : i32
      %convert_element_type3A_88 = arith.extui %lt3A_87 : i1 to i32
      %cond3A_89 = arith.constant 0 : i32
      %cond3A_90 = arith.cmpi ne, %convert_element_type3A_88, %cond3A_89 : i32
      scf.if %cond3A_90 {
        %add3A_133 = arith.constant 2 : i32
        %add3A_134 = arith.addi %add3A_84, %add3A_133 : i32
        %mul3A_135 = arith.constant 32 : i32
        %mul3A_136 = arith.muli %add3A_134, %mul3A_135 : i32
        %add3A_137 = arith.addi %add3A, %mul3A_136 : i32
        %mul3A_138 = arith.constant 2560 : i32
        %mul3A_139 = arith.muli %add3A_137, %mul3A_138 : i32
        %dma_start3A = arith.constant 0 : i32
        %dma_start3A_140 = tpu.memref_slice %arg3[%dma_start3A, %mul3A_139] : memref<2x6400000xi32, #tpu.memory_space<hbm>> -> memref<2x2560xi32, #tpu.memory_space<hbm>>
        %dma_start3A_141 = arith.constant 0 : i32
        %dma_start3A_142 = tpu.memref_slice %arg3[%dma_start3A_141, %mul3A_139] : memref<2x6400000xi32, #tpu.memory_space<hbm>> -> memref<2x2560xi32, #tpu.memory_space<hbm>>
        tpu.enqueue_dma source(%dma_start3A_142 : memref<2x2560xi32, #tpu.memory_space<hbm>>) target(%arg7 : memref<2x2560xi32, #tpu.memory_space<vmem>>) target_semaphore(%arg14 : memref<!tpu.dma_semaphore, #tpu.memory_space<semaphore_mem>>)
      } else {
      }
      %lt3A_91 = arith.cmpi slt, %add3A_84, %select_n3A : i32
      %convert_element_type3A_92 = arith.extui %lt3A_91 : i1 to i32
      %cond3A_93 = arith.constant 0 : i32
      %cond3A_94 = arith.cmpi ne, %convert_element_type3A_92, %cond3A_93 : i32
      scf.if %cond3A_94 {
        %mul3A_133 = arith.constant 32 : i32
        %mul3A_134 = arith.muli %add3A_84, %mul3A_133 : i32
        %add3A_135 = arith.addi %add3A, %mul3A_134 : i32
        %mul3A_136 = arith.constant 2560 : i32
        %mul3A_137 = arith.muli %add3A_135, %mul3A_136 : i32
        %dma_wait3A = arith.constant 0 : i32
        %dma_wait3A_138 = tpu.memref_slice %arg3[%dma_wait3A, %mul3A_137] : memref<2x6400000xi32, #tpu.memory_space<hbm>> -> memref<2x2560xi32, #tpu.memory_space<hbm>>
        %dma_wait3A_139 = arith.constant 0 : i32
        %dma_wait3A_140 = tpu.memref_slice %arg3[%dma_wait3A_139, %mul3A_137] : memref<2x6400000xi32, #tpu.memory_space<hbm>> -> memref<2x2560xi32, #tpu.memory_space<hbm>>
        tpu.wait_dma2 semaphore(%arg15 : memref<!tpu.dma_semaphore, #tpu.memory_space<semaphore_mem>>) src(%dma_wait3A_140 : memref<2x2560xi32, #tpu.memory_space<hbm>>) dst(%arg8 : memref<2x2560xi32, #tpu.memory_space<vmem>>)
      } else {
      }
      %ge3A_95 = arith.constant 3 : i32
      %ge3A_96 = arith.cmpi sge, %add3A_84, %ge3A_95 : i32
      %sub3A_97 = arith.constant 3 : i32
      %sub3A_98 = arith.subi %add3A_84, %sub3A_97 : i32
      %lt3A_99 = arith.cmpi slt, %sub3A_98, %select_n3A : i32
      %and3A_100 = arith.andi %ge3A_96, %lt3A_99 : i1
      %convert_element_type3A_101 = arith.extui %and3A_100 : i1 to i32
      %cond3A_102 = arith.constant 0 : i32
      %cond3A_103 = arith.cmpi ne, %convert_element_type3A_101, %cond3A_102 : i32
      scf.if %cond3A_103 {
        %sub3A_133 = arith.constant 3 : i32
        %sub3A_134 = arith.subi %add3A_84, %sub3A_133 : i32
        %mul3A_135 = arith.constant 32 : i32
        %mul3A_136 = arith.muli %sub3A_134, %mul3A_135 : i32
        %add3A_137 = arith.addi %add3A, %mul3A_136 : i32
        %mul3A_138 = arith.constant 2560 : i32
        %mul3A_139 = arith.muli %add3A_137, %mul3A_138 : i32
        %dma_wait3A = tpu.memref_slice %arg5[%mul3A_139] : memref<6400000xf32, #tpu.memory_space<hbm>> -> memref<2560xf32, #tpu.memory_space<hbm>>
        %dma_wait3A_140 = tpu.memref_slice %arg5[%mul3A_139] : memref<6400000xf32, #tpu.memory_space<hbm>> -> memref<2560xf32, #tpu.memory_space<hbm>>
        tpu.wait_dma2 semaphore(%arg18 : memref<!tpu.dma_semaphore, #tpu.memory_space<semaphore_mem>>) src(%arg11 : memref<2560xf32, #tpu.memory_space<vmem>>) dst(%dma_wait3A_140 : memref<2560xf32, #tpu.memory_space<hbm>>)
      } else {
      }
      %lt3A_104 = arith.cmpi slt, %add3A_84, %select_n3A : i32
      %convert_element_type3A_105 = arith.extui %lt3A_104 : i1 to i32
      %cond3A_106 = arith.constant 0 : i32
      %cond3A_107 = arith.cmpi ne, %convert_element_type3A_105, %cond3A_106 : i32
      scf.if %cond3A_107 {
        %parallel_loop3A = arith.constant 0 : i32
        %parallel_loop3A_133 = arith.constant 2560 : i32
        %parallel_loop3A_134 = arith.constant 16 : i32
        scf.for %parallel_loop3A_141 = %parallel_loop3A to %parallel_loop3A_133 step %parallel_loop3A_134  : i32 {
          %parallel_loop3A_142 = vector.broadcast %parallel_loop3A_141 : i32 to vector<16xi32>
          %parallel_loop3A_143 = arith.addi %iota3A, %parallel_loop3A_142 : vector<16xi32>
          %parallel_loop3A_144 = tpu.vector_load_idx %arg8[%broadcast_in_dim3A_33, %parallel_loop3A_143] : memref<2x2560xi32, #tpu.memory_space<vmem>>[vector<16xi32>, vector<16xi32>], vector<16xi32>,
          %parallel_loop3A_145 = tpu.vector_load_idx %arg8[%broadcast_in_dim3A_35, %parallel_loop3A_143] : memref<2x2560xi32, #tpu.memory_space<vmem>>[vector<16xi32>, vector<16xi32>], vector<16xi32>,
          %parallel_loop3A_146 = tpu.vector_load_idx %arg6[%parallel_loop3A_144] : memref<100000xi32, #tpu.memory_space<vmem>>[vector<16xi32>], vector<16xi32>,
          %parallel_loop3A_147 = tpu.vector_load_idx %arg6[%parallel_loop3A_145] : memref<100000xi32, #tpu.memory_space<vmem>>[vector<16xi32>], vector<16xi32>,
          %parallel_loop3A_148 = arith.cmpi eq, %parallel_loop3A_146, %parallel_loop3A_147 : vector<16xi32>
          %parallel_loop3A_149 = arith.select %parallel_loop3A_148, %get3A_30, %broadcast_in_dim3A_31 : vector<16xi1>, vector<16xf32>
          %parallel_loop3A_150 = arith.index_cast %parallel_loop3A_141 : i32 to index
          %parallel_loop3A_151 = tpu.vector_load %arg11[%parallel_loop3A_150] {strides = array<i32>} : memref<2560xf32, #tpu.memory_space<vmem>>, vector<16xf32>,
          tpu.vector_store %arg11[%parallel_loop3A_150], %parallel_loop3A_149 {strides = array<i32>} : memref<2560xf32, #tpu.memory_space<vmem>>, vector<16xf32>,
        } {sc.loop_unroll_factor = 16 : i64, sc.parallel_access}
        %mul3A_135 = arith.constant 32 : i32
        %mul3A_136 = arith.muli %add3A_84, %mul3A_135 : i32
        %add3A_137 = arith.addi %add3A, %mul3A_136 : i32
        %mul3A_138 = arith.constant 2560 : i32
        %mul3A_139 = arith.muli %add3A_137, %mul3A_138 : i32
        %dma_start3A = tpu.memref_slice %arg5[%mul3A_139] : memref<6400000xf32, #tpu.memory_space<hbm>> -> memref<2560xf32, #tpu.memory_space<hbm>>
        %dma_start3A_140 = tpu.memref_slice %arg5[%mul3A_139] : memref<6400000xf32, #tpu.memory_space<hbm>> -> memref<2560xf32, #tpu.memory_space<hbm>>
        tpu.enqueue_dma source(%arg11 : memref<2560xf32, #tpu.memory_space<vmem>>) target(%dma_start3A_140 : memref<2560xf32, #tpu.memory_space<hbm>>) target_semaphore(%arg18 : memref<!tpu.dma_semaphore, #tpu.memory_space<semaphore_mem>>)
      } else {
      }
      %add3A_108 = arith.constant 2 : i32
      %add3A_109 = arith.addi %add3A_59, %add3A_108 : i32
      %add3A_110 = arith.constant 2 : i32
      %add3A_111 = arith.addi %add3A_109, %add3A_110 : i32
      %lt3A_112 = arith.cmpi slt, %add3A_111, %select_n3A : i32
      %convert_element_type3A_113 = arith.extui %lt3A_112 : i1 to i32
      %cond3A_114 = arith.constant 0 : i32
      %cond3A_115 = arith.cmpi ne, %convert_element_type3A_113, %cond3A_114 : i32
      scf.if %cond3A_115 {
        %add3A_133 = arith.constant 2 : i32
        %add3A_134 = arith.addi %add3A_109, %add3A_133 : i32
        %mul3A_135 = arith.constant 32 : i32
        %mul3A_136 = arith.muli %add3A_134, %mul3A_135 : i32
        %add3A_137 = arith.addi %add3A, %mul3A_136 : i32
        %mul3A_138 = arith.constant 2560 : i32
        %mul3A_139 = arith.muli %add3A_137, %mul3A_138 : i32
        %dma_start3A = arith.constant 0 : i32
        %dma_start3A_140 = tpu.memref_slice %arg3[%dma_start3A, %mul3A_139] : memref<2x6400000xi32, #tpu.memory_space<hbm>> -> memref<2x2560xi32, #tpu.memory_space<hbm>>
        %dma_start3A_141 = arith.constant 0 : i32
        %dma_start3A_142 = tpu.memref_slice %arg3[%dma_start3A_141, %mul3A_139] : memref<2x6400000xi32, #tpu.memory_space<hbm>> -> memref<2x2560xi32, #tpu.memory_space<hbm>>
        tpu.enqueue_dma source(%dma_start3A_142 : memref<2x2560xi32, #tpu.memory_space<hbm>>) target(%arg8 : memref<2x2560xi32, #tpu.memory_space<vmem>>) target_semaphore(%arg15 : memref<!tpu.dma_semaphore, #tpu.memory_space<semaphore_mem>>)
      } else {
      }
      %lt3A_116 = arith.cmpi slt, %add3A_109, %select_n3A : i32
      %convert_element_type3A_117 = arith.extui %lt3A_116 : i1 to i32
      %cond3A_118 = arith.constant 0 : i32
      %cond3A_119 = arith.cmpi ne, %convert_element_type3A_117, %cond3A_118 : i32
      scf.if %cond3A_119 {
        %mul3A_133 = arith.constant 32 : i32
        %mul3A_134 = arith.muli %add3A_109, %mul3A_133 : i32
        %add3A_135 = arith.addi %add3A, %mul3A_134 : i32
        %mul3A_136 = arith.constant 2560 : i32
        %mul3A_137 = arith.muli %add3A_135, %mul3A_136 : i32
        %dma_wait3A = arith.constant 0 : i32
        %dma_wait3A_138 = tpu.memref_slice %arg3[%dma_wait3A, %mul3A_137] : memref<2x6400000xi32, #tpu.memory_space<hbm>> -> memref<2x2560xi32, #tpu.memory_space<hbm>>
        %dma_wait3A_139 = arith.constant 0 : i32
        %dma_wait3A_140 = tpu.memref_slice %arg3[%dma_wait3A_139, %mul3A_137] : memref<2x6400000xi32, #tpu.memory_space<hbm>> -> memref<2x2560xi32, #tpu.memory_space<hbm>>
        tpu.wait_dma2 semaphore(%arg16 : memref<!tpu.dma_semaphore, #tpu.memory_space<semaphore_mem>>) src(%dma_wait3A_140 : memref<2x2560xi32, #tpu.memory_space<hbm>>) dst(%arg9 : memref<2x2560xi32, #tpu.memory_space<vmem>>)
      } else {
      }
      %ge3A_120 = arith.constant 3 : i32
      %ge3A_121 = arith.cmpi sge, %add3A_109, %ge3A_120 : i32
      %sub3A_122 = arith.constant 3 : i32
      %sub3A_123 = arith.subi %add3A_109, %sub3A_122 : i32
      %lt3A_124 = arith.cmpi slt, %sub3A_123, %select_n3A : i32
      %and3A_125 = arith.andi %ge3A_121, %lt3A_124 : i1
      %convert_element_type3A_126 = arith.extui %and3A_125 : i1 to i32
      %cond3A_127 = arith.constant 0 : i32
      %cond3A_128 = arith.cmpi ne, %convert_element_type3A_126, %cond3A_127 : i32
      scf.if %cond3A_128 {
        %sub3A_133 = arith.constant 3 : i32
        %sub3A_134 = arith.subi %add3A_109, %sub3A_133 : i32
        %mul3A_135 = arith.constant 32 : i32
        %mul3A_136 = arith.muli %sub3A_134, %mul3A_135 : i32
        %add3A_137 = arith.addi %add3A, %mul3A_136 : i32
        %mul3A_138 = arith.constant 2560 : i32
        %mul3A_139 = arith.muli %add3A_137, %mul3A_138 : i32
        %dma_wait3A = tpu.memref_slice %arg5[%mul3A_139] : memref<6400000xf32, #tpu.memory_space<hbm>> -> memref<2560xf32, #tpu.memory_space<hbm>>
        %dma_wait3A_140 = tpu.memref_slice %arg5[%mul3A_139] : memref<6400000xf32, #tpu.memory_space<hbm>> -> memref<2560xf32, #tpu.memory_space<hbm>>
        tpu.wait_dma2 semaphore(%arg19 : memref<!tpu.dma_semaphore, #tpu.memory_space<semaphore_mem>>) src(%arg12 : memref<2560xf32, #tpu.memory_space<vmem>>) dst(%dma_wait3A_140 : memref<2560xf32, #tpu.memory_space<hbm>>)
      } else {
      }
      %lt3A_129 = arith.cmpi slt, %add3A_109, %select_n3A : i32
      %convert_element_type3A_130 = arith.extui %lt3A_129 : i1 to i32
      %cond3A_131 = arith.constant 0 : i32
      %cond3A_132 = arith.cmpi ne, %convert_element_type3A_130, %cond3A_131 : i32
      scf.if %cond3A_132 {
        %parallel_loop3A = arith.constant 0 : i32
        %parallel_loop3A_133 = arith.constant 2560 : i32
        %parallel_loop3A_134 = arith.constant 16 : i32
        scf.for %parallel_loop3A_141 = %parallel_loop3A to %parallel_loop3A_133 step %parallel_loop3A_134  : i32 {
          %parallel_loop3A_142 = vector.broadcast %parallel_loop3A_141 : i32 to vector<16xi32>
          %parallel_loop3A_143 = arith.addi %iota3A, %parallel_loop3A_142 : vector<16xi32>
          %parallel_loop3A_144 = tpu.vector_load_idx %arg9[%broadcast_in_dim3A_33, %parallel_loop3A_143] : memref<2x2560xi32, #tpu.memory_space<vmem>>[vector<16xi32>, vector<16xi32>], vector<16xi32>,
          %parallel_loop3A_145 = tpu.vector_load_idx %arg9[%broadcast_in_dim3A_35, %parallel_loop3A_143] : memref<2x2560xi32, #tpu.memory_space<vmem>>[vector<16xi32>, vector<16xi32>], vector<16xi32>,
          %parallel_loop3A_146 = tpu.vector_load_idx %arg6[%parallel_loop3A_144] : memref<100000xi32, #tpu.memory_space<vmem>>[vector<16xi32>], vector<16xi32>,
          %parallel_loop3A_147 = tpu.vector_load_idx %arg6[%parallel_loop3A_145] : memref<100000xi32, #tpu.memory_space<vmem>>[vector<16xi32>], vector<16xi32>,
          %parallel_loop3A_148 = arith.cmpi eq, %parallel_loop3A_146, %parallel_loop3A_147 : vector<16xi32>
          %parallel_loop3A_149 = arith.select %parallel_loop3A_148, %get3A_30, %broadcast_in_dim3A_31 : vector<16xi1>, vector<16xf32>
          %parallel_loop3A_150 = arith.index_cast %parallel_loop3A_141 : i32 to index
          %parallel_loop3A_151 = tpu.vector_load %arg12[%parallel_loop3A_150] {strides = array<i32>} : memref<2560xf32, #tpu.memory_space<vmem>>, vector<16xf32>,
          tpu.vector_store %arg12[%parallel_loop3A_150], %parallel_loop3A_149 {strides = array<i32>} : memref<2560xf32, #tpu.memory_space<vmem>>, vector<16xf32>,
        } {sc.loop_unroll_factor = 16 : i64, sc.parallel_access}
        %mul3A_135 = arith.constant 32 : i32
        %mul3A_136 = arith.muli %add3A_109, %mul3A_135 : i32
        %add3A_137 = arith.addi %add3A, %mul3A_136 : i32
        %mul3A_138 = arith.constant 2560 : i32
        %mul3A_139 = arith.muli %add3A_137, %mul3A_138 : i32
        %dma_start3A = tpu.memref_slice %arg5[%mul3A_139] : memref<6400000xf32, #tpu.memory_space<hbm>> -> memref<2560xf32, #tpu.memory_space<hbm>>
        %dma_start3A_140 = tpu.memref_slice %arg5[%mul3A_139] : memref<6400000xf32, #tpu.memory_space<hbm>> -> memref<2560xf32, #tpu.memory_space<hbm>>
        tpu.enqueue_dma source(%arg12 : memref<2560xf32, #tpu.memory_space<vmem>>) target(%dma_start3A_140 : memref<2560xf32, #tpu.memory_space<hbm>>) target_semaphore(%arg19 : memref<!tpu.dma_semaphore, #tpu.memory_space<semaphore_mem>>)
      } else {
      }
    }
    %scan3A_39 = arith.constant 27 : i32
    %gt3A_40 = arith.constant 78 : i32
    %gt3A_41 = arith.cmpi sgt, %select_n3A, %gt3A_40 : i32
    %convert_element_type3A_42 = arith.extui %gt3A_41 : i1 to i32
    %cond3A_43 = arith.constant 0 : i32
    %cond3A_44 = arith.cmpi ne, %convert_element_type3A_42, %cond3A_43 : i32
    scf.if %cond3A_44 {
      %add3A_55 = arith.constant 2496 : i32
      %add3A_56 = arith.addi %add3A, %add3A_55 : i32
      %mul3A_57 = arith.constant 2560 : i32
      %mul3A_58 = arith.muli %add3A_56, %mul3A_57 : i32
      %dma_wait3A = tpu.memref_slice %arg5[%mul3A_58] : memref<6400000xf32, #tpu.memory_space<hbm>> -> memref<2560xf32, #tpu.memory_space<hbm>>
      %dma_wait3A_59 = tpu.memref_slice %arg5[%mul3A_58] : memref<6400000xf32, #tpu.memory_space<hbm>> -> memref<2560xf32, #tpu.memory_space<hbm>>
      tpu.wait_dma2 semaphore(%arg17 : memref<!tpu.dma_semaphore, #tpu.memory_space<semaphore_mem>>) src(%arg10 : memref<2560xf32, #tpu.memory_space<vmem>>) dst(%dma_wait3A_59 : memref<2560xf32, #tpu.memory_space<hbm>>)
    } else {
    }
    %gt3A_45 = arith.constant 79 : i32
    %gt3A_46 = arith.cmpi sgt, %select_n3A, %gt3A_45 : i32
    %convert_element_type3A_47 = arith.extui %gt3A_46 : i1 to i32
    %cond3A_48 = arith.constant 0 : i32
    %cond3A_49 = arith.cmpi ne, %convert_element_type3A_47, %cond3A_48 : i32
    scf.if %cond3A_49 {
      %add3A_55 = arith.constant 2528 : i32
      %add3A_56 = arith.addi %add3A, %add3A_55 : i32
      %mul3A_57 = arith.constant 2560 : i32
      %mul3A_58 = arith.muli %add3A_56, %mul3A_57 : i32
      %dma_wait3A = tpu.memref_slice %arg5[%mul3A_58] : memref<6400000xf32, #tpu.memory_space<hbm>> -> memref<2560xf32, #tpu.memory_space<hbm>>
      %dma_wait3A_59 = tpu.memref_slice %arg5[%mul3A_58] : memref<6400000xf32, #tpu.memory_space<hbm>> -> memref<2560xf32, #tpu.memory_space<hbm>>
      tpu.wait_dma2 semaphore(%arg18 : memref<!tpu.dma_semaphore, #tpu.memory_space<semaphore_mem>>) src(%arg11 : memref<2560xf32, #tpu.memory_space<vmem>>) dst(%dma_wait3A_59 : memref<2560xf32, #tpu.memory_space<hbm>>)
    } else {
    }
    %gt3A_50 = arith.constant 80 : i32
    %gt3A_51 = arith.cmpi sgt, %select_n3A, %gt3A_50 : i32
    %convert_element_type3A_52 = arith.extui %gt3A_51 : i1 to i32
    %cond3A_53 = arith.constant 0 : i32
    %cond3A_54 = arith.cmpi ne, %convert_element_type3A_52, %cond3A_53 : i32
    scf.if %cond3A_54 {
      %add3A_55 = arith.constant 2560 : i32
      %add3A_56 = arith.addi %add3A, %add3A_55 : i32
      %mul3A_57 = arith.constant 2560 : i32
      %mul3A_58 = arith.muli %add3A_56, %mul3A_57 : i32
      %dma_wait3A = tpu.memref_slice %arg5[%mul3A_58] : memref<6400000xf32, #tpu.memory_space<hbm>> -> memref<2560xf32, #tpu.memory_space<hbm>>
      %dma_wait3A_59 = tpu.memref_slice %arg5[%mul3A_58] : memref<6400000xf32, #tpu.memory_space<hbm>> -> memref<2560xf32, #tpu.memory_space<hbm>>
      tpu.wait_dma2 semaphore(%arg19 : memref<!tpu.dma_semaphore, #tpu.memory_space<semaphore_mem>>) src(%arg12 : memref<2560xf32, #tpu.memory_space<vmem>>) dst(%dma_wait3A_59 : memref<2560xf32, #tpu.memory_space<hbm>>)
    } else {
    }
    return
  }
}

module attributes {stable_mosaic.version = 14 : i64} {
  func.func @_argmax_body(%arg0: memref<16x100000xf32, #tpu.memory_space<vmem>>, %arg1: memref<100000xi32, #tpu.memory_space<vmem>>) attributes {dimension_semantics = [], scalar_prefetch = 0 : i64, scratch_operands = 0 : i64, tpu.core_type = #tpu.core_type<tc>} {
    %get3A = arith.constant 0 : index
    %get3A_0 = arith.constant 0 : index
    %get3A_1 = vector.load %arg0[%get3A, %get3A_0] : memref<16x100000xf32, #tpu.memory_space<vmem>>, vector<16x100000xf32>
    %reduce_max3A = arith.constant dense<0xFF800000> : vector<100000xf32>
    %reduce_max3A_2 = vector.multi_reduction <maximumf>, %get3A_1, %reduce_max3A [0] : vector<16x100000xf32> to vector<100000xf32>
    %iota3A = tpu.iota {dimensions = array<i32: 0>} : vector<16x100000xi32>
    %broadcast_in_dim3A = vector.shape_cast %reduce_max3A_2 : vector<100000xf32> to vector<1x100000xf32>
    %eq3A = vector.broadcast %broadcast_in_dim3A : vector<1x100000xf32> to vector<16x100000xf32>
    %eq3A_3 = arith.cmpf oeq, %get3A_1, %eq3A : vector<16x100000xf32>
    %jit3A = arith.constant 16 : i32
    %broadcast_in_dim3A_4 = vector.broadcast %jit3A : i32 to vector<16x100000xi32>
    %select_n3A = arith.select %eq3A_3, %iota3A, %broadcast_in_dim3A_4 : vector<16x100000xi1>, vector<16x100000xi32>
    %reduce_min3A = arith.constant dense<2147483647> : vector<100000xi32>
    %reduce_min3A_5 = vector.multi_reduction <minsi>, %select_n3A, %reduce_min3A [0] : vector<16x100000xi32> to vector<100000xi32>
    %swap3A = arith.constant 0 : index
    %swap3A_6 = vector.load %arg1[%swap3A] : memref<100000xi32, #tpu.memory_space<vmem>>, vector<100000xi32>
    tpu.vector_store %arg1[%swap3A], %reduce_min3A_5 {strides = array<i32>} : memref<100000xi32, #tpu.memory_space<vmem>>, vector<100000xi32>,
    return
  }
}

</mosaic_0001>

<sc_bundles>
// kernel: kernel.4.cloned.1.call-start
scs
__scs_entry_jumppad:
0x0: {  	(pc) =	sbr.rel $0x88, $3  }
0x1: {  	(tag) =	ssettag $0x0;
	lr =	simm.s32 $0x1  }
0x2: {  	[smem:$0x3F9E] =	sst lr;
	_ =	strace $0xD0000000  }
0x3: {  	_ = 	snop  }
0x4: {  	_ = 	snop  }
0x5: {  	_ = 	snop  }
0x6: {  	_ = 	snop  }
0x7: {  	_ = 	snop  }
__scs_overlays_trampoline_lowered:
0x8: {  	[smem:$0x3FAD] =	sst s0  }
0x9: {  	[smem:$0x3FAE] =	sst s1  }
0xa: {  	[smem:$0x3FAF] =	sst s2  }
0xb: {  	[smem:$0x3FB0] =	sst s3  }
0xc: {  	[smem:$0x3FB1] =	sst s4  }
0xd: {  	[smem:$0x3FB2] =	sst s5  }
0xe: {  	[smem:$0x3FB3] =	sst s6  }
0xf: {  	[smem:$0x3FB4] =	sst s7  }
0x10: {  	[smem:$0x3FB5] =	sst s8  }
0x11: {  	[smem:$0x3FB6] =	sst s9;
	s0 =	simm.s32 @!p0 $0x0  }
0x12: {  	s1 =	sld [smem:$0x3F9C];
	s0 =	simm.s32 @p0 $0x1  }
0x13: {  	[smem:$0x3FB7] =	sst s0;
	s0 =	simm.s32 @!p1 $0x0  }
0x14: {  	s2 =	sld [smem:$0x3F9B];
	s0 =	simm.s32 @p1 $0x1  }
0x15: {  	[smem:$0x3FB8] =	sst s0;
	s0 =	simm.s32 @!p2 $0x0  }
0x16: {  	s3 =	sld [smem:$0x3FDB];
	s0 =	simm.s32 @p2 $0x1  }
0x17: {  	s4 =	simm.s32 $0x1BF5;
	[smem:$0x3FBA] =	sst s0  }
0x18: {  	s0 =	sld [smem:$0x3F9D];
	_ =	swait.ge [sflag:s4], $0x0  }
0x19: {  	s7 =	sld [smem:$0x3F9E]  }
0x1a: {  	s8 =	sadd.s32 $0xFFFFE003, lr  }
0x1b: {  	s9 =	sadd.s32 $0xFFFFFEF7, lr;
	s5 =	simm.s32 $0xFFFFFFFF;
	p2 =	slt.u32 s8, $0xFFFFF086  }
0x1c: {  	p1 =	slt.u32 s9, $0xF7A;
	s5 =	simm.s32 @!p2 $0x0  }
0x1d: {  	s5 =	simm.s32 @p1 $0x1;
	p0 =	seq.s32 s7, s2  }
0x1e: {  	s7 =	smul.u32 @!p0 $0xF7A, s2;
	p2 =	seq.s32 @!p0 s5, $0x0  }
0x1f: {  	s9 =	smul.u32 $0xF7A, s1;
	s8 =	simm.s32 @!p0 $0x1BF5;
	p2 =	por !p2, p0  }
0x20: {  	[sflag:s8] =	ssyncset.s32 @!p0 $0xFFFFF086;
	s6 =	sadd.s32 @!p0 s3, s7;
	s7 =	simm.s32 @!p0 $0x108  }
0x21: {  	s3 =	sadd.s32 s3, s9;
	s6 =	sadd.s32 @!p0 $0x88, s6;
	s7 =	simm.s32 @p2 $0x1082  }
0x22: {  	[simem:s7], [sflag:s8] =	dma.local @!p0 [hbm:s6], $0xF7A  }
0x23: {  	s9 =	sor.u32 $0xD0000000, s2;
	s6 =	simm.s32 $0x108;
	_ =	swait.ge @!p0 [sflag:s8], $0x0  }
0x24: {  	s3 =	sadd.s32 $0x88, s3;
	s6 =	simm.s32 @!p1 $0x1082;
	[sflag:s4] =	ssyncset.s32 $0xFFFFF086  }
0x25: {  	[simem:s6], [sflag:s4] =	dma.local [hbm:s3], $0xF7A  }
0x26: {  	[smem:$0x3F9E] =	sst s1;
	(tag) =	ssettag s2;
	_ =	strace s9  }
0x27: {  	s1 =	sld [smem:$0x3FAE]  }
0x28: {  	s2 =	sld [smem:$0x3FAF]  }
0x29: {  	s4 =	sld [smem:$0x3FB1]  }
0x2a: {  	p0 =	seq.s32 s5, $0x0;
	s5 =	sld [smem:$0x3FB2]  }
0x2b: {  	s6 =	sld [smem:$0x3FB3]  }
0x2c: {  	s7 =	sld [smem:$0x3FB4]  }
0x2d: {  	s3 =	simm.s32 $0x108;
	s8 =	sld [smem:$0x3FB5]  }
0x2e: {  	s3 =	simm.s32 @!p0 $0x1082;
	s9 =	sld [smem:$0x3FB6]  }
0x2f: {  	lr =	sadd.s32 s0, s3;
	s0 =	sld [smem:$0x3FAD]  }
0x30: {  	s3 =	sld [smem:$0x3FB0]  }
0x31: {  	[smem:$0x3FB9] =	sst s10  }
0x32: {  	s10 =	sld [smem:$0x3FB7];
	_ =	sdelay $0x3  }
0x33: {  	p0 =	seq.s32 s10, $0x1;
	s10 =	sld [smem:$0x3FB9];
	_ =	sdelay $0x3  }
0x34: {  	[smem:$0x3FB9] =	sst s10  }
0x35: {  	s10 =	sld [smem:$0x3FB8];
	_ =	sdelay $0x3  }
0x36: {  	p1 =	seq.s32 s10, $0x1;
	s10 =	sld [smem:$0x3FB9];
	_ =	sdelay $0x3  }
0x37: {  	[smem:$0x3FB9] =	sst s10  }
0x38: {  	s10 =	sld [smem:$0x3FBA]  }
0x39: {  	_ = 	snop;
	(pc) =	sbr.ind lr, $3  }
0x3a: {  	_ = 	snop  }
0x3b: {  	_ = 	snop  }
0x3c: {  	p2 =	seq.s32 s10, $0x1;
	s10 =	sld [smem:$0x3FB9]  }
0x3d: {  	_ =	shalt  }
0x3e: {  	_ =	shalt  }
0x3f: {  	_ =	shalt  }
0x40: {  	_ =	shalt  }
0x41: {  	_ =	shalt  }
0x42: {  	_ =	shalt  }
0x43: {  	_ =	shalt  }
0x44: {  	_ =	shalt  }
0x45: {  	_ =	shalt  }
0x46: {  	_ =	shalt  }
0x47: {  	_ =	shalt  }
0x48: {  	_ =	shalt  }
0x49: {  	_ =	shalt  }
0x4a: {  	_ =	shalt  }
0x4b: {  	_ =	shalt  }
0x4c: {  	_ =	shalt  }
0x4d: {  	_ =	shalt  }
0x4e: {  	_ =	shalt  }
0x4f: {  	_ =	shalt  }
0x50: {  	_ =	shalt  }
0x51: {  	_ =	shalt  }
0x52: {  	_ =	shalt  }
0x53: {  	_ =	shalt  }
0x54: {  	_ =	shalt  }
0x55: {  	_ =	shalt  }
0x56: {  	_ =	shalt  }
0x57: {  	_ =	shalt  }
0x58: {  	_ =	shalt  }
0x59: {  	_ =	shalt  }
0x5a: {  	_ =	shalt  }
0x5b: {  	_ =	shalt  }
0x5c: {  	_ =	shalt  }
0x5d: {  	_ =	shalt  }
0x5e: {  	_ =	shalt  }
0x5f: {  	_ =	shalt  }
0x60: {  	_ =	shalt  }
0x61: {  	_ =	shalt  }
0x62: {  	_ =	shalt  }
0x63: {  	_ =	shalt  }
0x64: {  	_ =	shalt  }
0x65: {  	_ =	shalt  }
0x66: {  	_ =	shalt  }
0x67: {  	_ =	shalt  }
0x68: {  	_ =	shalt  }
0x69: {  	_ =	shalt  }
0x6a: {  	_ =	shalt  }
0x6b: {  	_ =	shalt  }
0x6c: {  	_ =	shalt  }
0x6d: {  	_ =	shalt  }
0x6e: {  	_ =	shalt  }
0x6f: {  	_ =	shalt  }
0x70: {  	_ =	shalt  }
0x71: {  	_ =	shalt  }
0x72: {  	_ =	shalt  }
0x73: {  	_ =	shalt  }
0x74: {  	_ =	shalt  }
0x75: {  	_ =	shalt  }
0x76: {  	_ =	shalt  }
0x77: {  	_ =	shalt  }
0x78: {  	_ =	shalt  }
0x79: {  	_ =	shalt  }
0x7a: {  	_ =	shalt  }
0x7b: {  	_ =	shalt  }
0x7c: {  	_ =	shalt  }
0x7d: {  	_ =	shalt  }
0x7e: {  	_ =	shalt  }
0x7f: {  	_ =	shalt  }
0x80: {  	_ =	shalt  }
0x81: {  	_ =	shalt  }
0x82: {  	_ =	shalt  }
0x83: {  	_ =	shalt  }
0x84: {  	_ =	shalt  }
0x85: {  	_ =	shalt  }
0x86: {  	_ =	shalt  }
0x87: {  	_ =	shalt  }
.Lfunc_end0:
.L_simem_size_0:
called_computation_lowered:
.L_overlay_start_0:
0x88: {  	s2 =	sld [smem:$0x3FD9]  }
0x89: {  	s3 =	sld [smem:$0x3FFE];
	_ =	sdelay $0x1  }
0x8a: {  	s1 =	srdreg.scid  }
0x8b: {  	s0 =	sand.u32 $0x1, s1  }
0x8c: {  	s17 =	sshll.u32 s0, $0xA;
	s2 =	sadd.s32 s3, s2  }
0x8d: {  	s2 =	sadd.s32 s2, s17  }
0x8e: {  	[smem:$0x3FC5] =	sst s2  }
0x8f: {  	_ = 	snop  }
0x90: {  	s2 =	sld [smem:$0x3FC8]  }
0x91: {  	s18 =	sld [smem:$0x3FD0];
	(tm) =	ssettm $0x1  }
0x92: {  	s4 =	sld [smem:$0x3FFB];
	_ =	sdelay $0x3  }
0x93: {  	_ =	strace s4  }
0x94: {  	s4 =	sld [smem:$0x3FFC];
	_ =	sdelay $0x3  }
0x95: {  	_ =	strace s4  }
0x96: {  	s4 =	sld [smem:$0x3FFD];
	_ =	sdelay $0x3  }
0x97: {  	_ =	strace s4  }
0x98: {  	_ =	strace $0x8FFFFFFF  }
0x99: {  	s19 =	sld [smem:$0x3FDB];
	_ =	sdelay $0x1  }
0x9a: {  	s5 =	simm.s32 $_scs_section_size  }
0x9b: {  	s6 =	simm.s32 $_size__tile_overlayer_lowered;
	s7 =	simm.s32 $_tile_overlayer_lowered  }
0x9c: {  	s22 =	simm.s32 $0x1BFF;
	s21 =	sshll.u32 s7, $0x1;
	s4 =	sadd.s32 s5, s19  }
0x9d: {  	s8 =	simm.s32 $0x0;
	s20 =	sshll.u32 s6, $0x1;
	s6 =	sadd.s32 s21, s4  }
0x9e: {  	[timem:s8], [sflag:s22] =	dma.local [hbm:s6], s20  }
0x9f: {  	_ =	swait.ge [sflag:s22], s20  }
0xa0: {  	s5 =	ssub.s32 $0x0, s20;
	[sflag:s22] =	ssyncset.done $0x0  }
0xa1: {  	[sflag:s22] =	ssyncadd.s32 s5;
	_ =	sdelay $0x1  }
0xa2: {  	s23 =	simm.s32 $0x1B8B  }
0xa3: {  	_ =	swait.ge [sflag:s23], $0x1  }
0xa4: {  	[sflag:s23] =	ssyncset.done $0x0  }
0xa5: {  	s25 =	simm.s32 $0x1B8E;
	s24 =	sld [smem:$0x3FFE];
	[sflag:s23] =	ssyncadd.s32 $0xFFFFFFFF  }
0xa6: {  	s26 =	simm.s32 $execute0_lowered;
	[smem:$0x3FD2] =	sst s25  }
0xa7: {  	s6 =	sshll.u32 s26, $0x1;
	_ =	strace $0x80000046;
	[dreg:$0x1] =	wrdreg $0xFFFFFFFF  }
0xa8: {  	s28 =	simm.s32 $_size_execute0_lowered;
	s4 =	sadd.s32 s4, s6;
	[dreg:$0x0] =	wrdreg $0x0  }
0xa9: {  	s6 =	sshll.u32 s28, $0x1;
	[dreg:$0x2] =	wrdreg s4  }
0xaa: {  	[dreg:$0x3] =	wrdreg s6  }
0xab: {  	[dreg:$0x4] =	wrdreg $0xC0  }
0xac: {  	_ =	task [dreg:s8], $0x5FFFF  }
0xad: {  	[dreg:$0x1] =	wrdreg $0xFFFFFFFF  }
0xae: {  	[dreg:$0x0] =	wrdreg $0x60  }
0xaf: {  	[dreg:$0x2] =	wrdreg s24  }
0xb0: {  	[dreg:$0x3] =	wrdreg s2  }
0xb1: {  	[dreg:$0x4] =	wrdreg s18  }
0xb2: {  	[dreg:$0x5] =	wrdreg $0x9  }
0xb3: {  	_ =	task.clear_ibuf [dreg:s8], $0x6FFFF;
	_ =	strace $0x90000046  }
0xb4: {  	s29 =	simm.s32 $0x9;
	_ =	strace $0x80000048  }
0xb5: {  	_ =	swait.ge [sflag:s29], $0x1  }
0xb6: {  	[sflag:s29] =	ssyncadd.s32 $0xFFFFFFFF  }
0xb7: {  	_ =	strace $0x90000048  }
0xb8: {  	_ =	sfence  }
0xb9: {  	s30 =	sld [smem:$0x0];
	_ =	sdelay $0x2  }
0xba: {  	s31 =	sshll.u32 s1, $0xD;
	s1 =	sshrl.u32 s1, $0x2  }
0xbb: {  	s3 =	sand.u32 $0x4000, s31;
	s1 =	sadd.s32 s1, s30  }
0xbc: {  	s0 =	sor.u32 s3, s0;
	s1 =	sshll.u32 s1, $0x11  }
0xbd: {  	s0 =	sor.u32 s1, s0  }
0xbe: {  	s0 =	sadd.s32 $0x8F2B, s0  }
0xbf: {  	[sflag:s0] =	ssyncadd.remote.s32 $0x1  }
0xc0: {  	_ =	sfence.sel $0xFFFF  }
0xc1: {  	[dreg:$0x0] =	wrdreg $0xFFFFFFFF;
	(pc) =	sbr.abs _section_cstart, $3  }
0xc2: {  	[dreg:$0x1] =	wrdreg $0xFFFFFFFF  }
0xc3: {  	_ =	task.clear_ibuf [dreg:s8], $0x2FFFF;
	_ =	strace $0x9FFFFFFF  }
0xc4: {  	(tm) =	ssettm $0x7FFFFFFF  }
0xc5: {  	_ =	shalt  }
tec
execute0_lowered:
.L_overlay_start_1:
0x0: {  	(tag) =	ssettag $0x1  }
0x1: {  	s7 =	rddreg [dreg:$0x0]  }
0x2: {  	s1 =	rddreg [dreg:$0x1]  }
0x3: {  	s3 =	rddreg [dreg:$0x2]  }
0x4: {  	s0 =	rddreg [dreg:$0x3]  }
0x5: {  	s4 =	simm.s32 $0x0;
	s5 =	srdreg.scid;
	s2 =	stileid.u32  }
0x6: {  	s13 =	simm.s32 $0x19B00;
	s14 =	simm.s32 $0x7;
	s15 =	simm.s32 $0x1E100  }
0x7: {  	s16 =	simm.s32 $0x1C300;
	s17 =	simm.s32 $0x1CD00;
	s18 =	simm.s32 $0x1AF00  }
0x8: {  	s19 =	simm.s32 $0x1D700;
	s8 =	sand.u32 $0x1, s5;
	s29 =	sshll.u32 s2, $0x1  }
0x9: {  	v0 =	vimm.s32 $0x0;
	vm0 =	vcmask $0x300;
	s20 =	simm.s32 $0x0;
	[smem:$0x7FF] =	sst s4;
	s5 =	sor.u32 s8, s29  }
0xa: {  	v1 =	vlaneseq.u32;
	s6 =	sadd.s32 $0x800, s7;
	s7 =	sadd.s32 $0x3A00, s7;
	v0 =	vsel vm0, $0x8, v0;
	s9 =	smul.u32 $0x1400, s5  }
.Ltmp0:
0xb: {  	v2 =	vor.u32 $0x80, v1;
	v3 =	vor.u32 $0x10, v1;
	v4 =	vor.u32 $0x90, v1;
	p0 =	sgt.u32 s2, $0x1;
	s8 =	ssub.s32 $0x2, s8;
	(pc) =	sbr.rel .LBB2_1-.Ltmp0, $4  }
0xc: {  	v5 =	vor.u32 $0x20, v1;
	v6 =	vor.u32 $0xA0, v1;
	v7 =	vor.u32 $0x30, v1;
	_ =	strace $0x80000047;
	s10 =	sshrl.u32 s8, $0x1;
	s11 =	smul.u32 $0x280, s5  }
0xd: {  	v8 =	vor.u32 $0xB0, v1;
	v9 =	vor.u32 $0x40, v1;
	v10 =	vor.u32 $0xC0, v1;
	s30 =	ssub.s32 $0x9E3, s5;
	s12 =	ssub.s32 s8, s10;
	s31 =	sshrl.u32 s9, $0x3  }
0xe: {  	v11 =	vor.u32 $0x50, v1;
	v12 =	vor.u32 $0xD0, v1;
	v13 =	vor.u32 $0x60, v1;
	s8 =	sshrl.u32 s30, $0x5;
	s9 =	sadd.s32 s1, s11;
	s10 =	sadd.s32 s1, s31  }
0xf: {  	v14 =	vor.u32 $0xE0, v1;
	v15 =	vor.u32 $0x70, v1;
	v16 =	vor.u32 $0xF0, v1;
	s11 =	smax.u32 s12, $0x1;
	s12 =	simm.s32 $0x18700;
	s10 =	sadd.s32 $0x5000, s10  }
.LBB2_15:
0x10: {  	s20 =	sadd.s32 $0x1, s20  }
0x11: {  	p1 =	sne.s32 s20, s11  }
.Ltmp1:
0x12: {  	_ = 	snop;
	(pc) =	sbr.rel @!p1 .LBB2_16-.Ltmp1, $4  }
0x13: {  	s21 =	simm.s32 @!p0 $0x4  }
0x14: {  	_ =	swait.ge @!p0 [sflag:s21], $0xA00  }
0x15: {  	[sflag:s21] =	ssyncset.done @!p0 $0x0  }
0x16: {  	[sflag:s21] =	ssyncadd.s32 @!p0 $0xFFFFF600  }
.LBB2_1:
0x17: {  	[tilespmem:s12], [sflag:$0x1] =	stream.linear.gather [hbm4b:s9+s4], $0x1400, $0x38;
	[tilespmem:$0x1E180] =	vst v63  }
0x18: {  	_ = 	snop  }
0x19: {  	[tilespmem:s13], [sflag:$0x2] =	stream.linear.gather [hbm4b:s10+s4], $0x1400, $0x38;
	[tilespmem:$0x1E180] =	vst v63  }
0x1a: {  	_ = 	snop  }
0x1b: {  	[tilespmem:s4], [sflag:$0x7] =	stream.linear.gather [hbm4b:s6+s4], $0x18700, $0x38;
	[tilespmem:$0x1E180] =	vst v63  }
0x1c: {  	_ =	swait.ge [sflag:s14], $0x18700  }
0x1d: {  	[sflag:s14] =	ssyncset.done $0x0  }
0x1e: {  	[sflag:s14] =	ssyncadd.s32 $0xFFFE7900  }
0x1f: {  	[tilespmem:s15], [sflag:$0x7] =	stream.linear.gather [hbm4b:s7+s4], $0x80, $0x38;
	[tilespmem:$0x1E180] =	vst v63  }
.Ltmp2:
0x20: {  	_ = 	snop;
	(pc) =	sbr.rel .LBB2_2-.Ltmp2, $4  }
0x21: {  	_ =	swait.ge [sflag:s14], $0x80  }
0x22: {  	[sflag:s14] =	ssyncset.done $0x0  }
0x23: {  	[sflag:s14] =	ssyncadd.s32 $0xFFFFFF80  }
0x24: {  	s21 =	simm.s32 $0x0;
	v17 =	vld [tilespmem:$0x1E100]  }
.LBB2_14:
0x25: {  	s21 =	sadd.s32 $0x1, s21  }
0x26: {  	p1 =	sne.s32 s21, $0x1B  }
.Ltmp3:
0x27: {  	_ = 	snop;
	(pc) =	sbr.rel @!p1 .LBB2_15-.Ltmp3, $1  }
0x28: {  	_ =	sdelay $0x3  }
.LBB2_2:
0x29: {  	s23 =	smul.u32 $0x3, s21;
	_ =	sdelay $0x1  }
0x2a: {  	s22 =	sadd.s32 $0x2, s23  }
0x2b: {  	p1 =	sge.u32 s22, s8  }
0x2c: {  	s24 =	sshll.u32 @!p1 s22, $0x5  }
0x2d: {  	s24 =	sor.u32 @!p1 s5, s24  }
0x2e: {  	s24 =	smul.u32 @!p1 $0x280, s24  }
0x2f: {  	p3 =	sge.u32 s23, s8  }
0x30: {  	s25 =	simm.s32 @!p1 $0x0;
	s26 =	simm.s32 @!p1 $0x1AF00;
	s24 =	sadd.s32 @!p1 s1, s24  }
0x31: {  	[tilespmem:s26], [sflag:$0x3] =	stream.linear.gather @!p1 [hbm4b:s24+s25], $0x1400, $0x38;
	[tilespmem:$0x1E180] =	vst v63  }
0x32: {  	s24 =	simm.s32 @!p3 $0x1  }
0x33: {  	_ =	swait.ge @!p3 [sflag:s24], $0x1400  }
.Ltmp4:
0x34: {  	p2 =	seq.s32 s21, $0x0;
	[sflag:s24] =	ssyncset.done @!p3 $0x0;
	(pc) =	sbr.rel @p3 .LBB2_6-.Ltmp4, $4  }
0x35: {  	[sflag:s24] =	ssyncadd.s32 @!p3 $0xFFFFEC00;
	s24 =	simm.s32 @!p2 $0x4  }
0x36: {  	_ =	swait.ge @!p2 [sflag:s24], $0xA00  }
0x37: {  	[sflag:s24] =	ssyncset.done @!p2 $0x0  }
0x38: {  	[sflag:s24] =	ssyncadd.s32 @!p2 $0xFFFFF600  }
0x39: {  	s24 =	simm.s32 $0x0  }
0x3a: {  	v18 =	vmov s24  }
0x3b: {  	v18 =	vshrl.u32 v18, $0x7  }
0x3c: {  	v18 =	vshll.u32 v18, v0  }
0x3d: {  	v18 =	vbroadcast v18, $0x0;
	_ =	sdelay $0x1  }
0x3e: {  	v19 =	vor.u32 v1, v18  }
0x3f: {  	v20 =	vor.u32 v2, v18  }
0x40: {  	v21 =	vor.u32 v3, v18  }
0x41: {  	v22 =	vor.u32 v4, v18  }
0x42: {  	v23 =	vor.u32 v5, v18  }
0x43: {  	v24 =	vor.u32 v6, v18;
	v19 =	vld.idx.msk [tilespmem:v19+s12+$0x0], $0xffff  }
0x44: {  	v25 =	vor.u32 v7, v18;
	v20 =	vld.idx.msk [tilespmem:v20+s12+$0x0], $0xffff  }
0x45: {  	v26 =	vor.u32 v8, v18;
	v21 =	vld.idx.msk [tilespmem:v21+s12+$0x0], $0xffff  }
0x46: {  	s28 =	simm.s32 $0x80;
	s29 =	simm.s32 $0x90;
	v27 =	vor.u32 v9, v18;
	v22 =	vld.idx.msk [tilespmem:v22+s12+$0x0], $0xffff  }
0x47: {  	s30 =	simm.s32 $0xA0;
	s31 =	simm.s32 $0xB0;
	v31 =	vmov s28;
	v34 =	vmov s29;
	v28 =	vor.u32 v10, v18;
	v23 =	vld.idx.msk [tilespmem:v23+s12+$0x0], $0xffff  }
0x48: {  	s25 =	simm.s32 $0xC0;
	s26 =	simm.s32 $0xD0;
	v36 =	vmov s30;
	v38 =	vmov s31;
	v29 =	vor.u32 v11, v18;
	v24 =	vld.idx.msk [tilespmem:v24+s12+$0x0], $0xffff  }
0x49: {  	v40 =	vmov s25;
	v55 =	vmov s26;
	v30 =	vor.u32 v12, v18;
	v25 =	vld.idx.msk [tilespmem:v25+s12+$0x0], $0xffff  }
0x4a: {  	v31 =	vshrl.u32 v31, $0x7;
	v34 =	vshrl.u32 v34, $0x7;
	v32 =	vor.u32 v13, v18;
	v26 =	vld.idx.msk [tilespmem:v26+s12+$0x0], $0xffff  }
0x4b: {  	v36 =	vshrl.u32 v36, $0x7;
	v31 =	vshll.u32 v31, v0;
	v33 =	vor.u32 v14, v18;
	v27 =	vld.idx.msk [tilespmem:v27+s12+$0x0], $0xffff  }
0x4c: {  	v38 =	vshrl.u32 v38, $0x7;
	v31 =	vbroadcast v31, $0x0;
	v35 =	vor.u32 v15, v18;
	v28 =	vld.idx.msk [tilespmem:v28+s12+$0x0], $0xffff  }
0x4d: {  	s28 =	simm.s32 $0xE0;
	v40 =	vshrl.u32 v40, $0x7;
	v34 =	vshll.u32 v34, v0;
	v18 =	vor.u32 v16, v18;
	v29 =	vld.idx.msk [tilespmem:v29+s12+$0x0], $0xffff  }
0x4e: {  	v57 =	vmov s28;
	v34 =	vbroadcast v34, $0x0;
	v37 =	vor.u32 v1, v31;
	v30 =	vld.idx.msk [tilespmem:v30+s12+$0x0], $0xffff  }
0x4f: {  	v36 =	vshll.u32 v36, v0;
	v38 =	vshll.u32 v38, v0;
	v31 =	vor.u32 v2, v31;
	v32 =	vld.idx.msk [tilespmem:v32+s12+$0x0], $0xffff  }
0x50: {  	v54 =	vshll.u32 v40, v0;
	v36 =	vbroadcast v36, $0x0;
	v39 =	vor.u32 v3, v34;
	v33 =	vld.idx.msk [tilespmem:v33+s12+$0x0], $0xffff  }
0x51: {  	v40 =	vshrl.u32 v55, $0x7;
	v38 =	vbroadcast v38, $0x0;
	v34 =	vor.u32 v4, v34;
	v35 =	vld.idx.msk [tilespmem:v35+s12+$0x0], $0xffff  }
0x52: {  	v56 =	vshll.u32 v40, v0;
	v40 =	vshrl.u32 v57, $0x7;
	v41 =	vor.u32 v5, v36;
	v18 =	vld.idx.msk [tilespmem:v18+s12+$0x0], $0xffff  }
0x53: {  	v40 =	vshll.u32 v40, v0;
	v36 =	vor.u32 v6, v36;
	v42 =	vld.idx.msk [tilespmem:v37+s12+$0x0], $0xffff  }
0x54: {  	v43 =	vor.u32 v7, v38;
	v40 =	vbroadcast v40, $0x0;
	v31 =	vld.idx.msk [tilespmem:v31+s12+$0x0], $0xffff  }
0x55: {  	v38 =	vor.u32 v8, v38;
	v44 =	vld.idx.msk [tilespmem:v39+s12+$0x0], $0xffff  }
0x56: {  	v59 =	vor.u32 v13, v40;
	v37 =	vbroadcast v54, $0x0;
	v34 =	vld.idx.msk [tilespmem:v34+s12+$0x0], $0xffff  }
0x57: {  	v40 =	vor.u32 v14, v40;
	v41 =	vld.idx.msk [tilespmem:v41+s12+$0x0], $0xffff  }
0x58: {  	v39 =	vbroadcast v56, $0x0;
	v46 =	vld.idx.msk [tilespmem:v36+s12+$0x0], $0xffff;
	v45 =	vor.u32 v9, v37  }
0x59: {  	v43 =	vld.idx.msk [tilespmem:v43+s12+$0x0], $0xffff;
	v37 =	vor.u32 v10, v37  }
0x5a: {  	v47 =	vld.idx.msk [tilespmem:v38+s12+$0x0], $0xffff;
	v58 =	vor.u32 v11, v39  }
0x5b: {  	v39 =	vor.u32 v12, v39;
	v51 =	vld.idx.msk [tilespmem:v59+s12+$0x0], $0xffff  }
0x5c: {  	v40 =	vld.idx.msk [tilespmem:v40+s12+$0x0], $0xffff  }
0x5d: {  	v45 =	vld.idx.msk [tilespmem:v45+s12+$0x0], $0xffff  }
0x5e: {  	v48 =	vld.idx.msk [tilespmem:v37+s12+$0x0], $0xffff  }
0x5f: {  	v49 =	vld.idx.msk [tilespmem:v58+s12+$0x0], $0xffff  }
0x60: {  	v50 =	vld.idx.msk [tilespmem:v39+s12+$0x0], $0xffff  }
0x61: {  	s29 =	simm.s32 $0xF0;
	v19 =	vld.idx.msk [tilespmem:v19+s4+$0x0], $0xffff  }
0x62: {  	v60 =	vmov s29;
	v20 =	vld.idx.msk [tilespmem:v20+s4+$0x0], $0xffff  }
0x63: {  	v36 =	vshrl.u32 v60, $0x7;
	v21 =	vld.idx.msk [tilespmem:v21+s4+$0x0], $0xffff  }
0x64: {  	v36 =	vshll.u32 v36, v0;
	v22 =	vld.idx.msk [tilespmem:v22+s4+$0x0], $0xffff  }
0x65: {  	v36 =	vbroadcast v36, $0x0;
	v38 =	vld.idx.msk [tilespmem:v23+s4+$0x0], $0xffff  }
0x66: {  	v39 =	vld.idx.msk [tilespmem:v24+s4+$0x0], $0xffff  }
0x67: {  	v23 =	vor.u32 v15, v36;
	v24 =	vor.u32 v16, v36;
	v36 =	vld.idx.msk [tilespmem:v25+s4+$0x0], $0xffff  }
0x68: {  	v37 =	vld.idx.msk [tilespmem:v26+s4+$0x0], $0xffff  }
0x69: {  	v25 =	vld.idx.msk [tilespmem:v42+s4+$0x0], $0xffff  }
0x6a: {  	v26 =	vld.idx.msk [tilespmem:v31+s4+$0x0], $0xffff  }
0x6b: {  	v31 =	vld.idx.msk [tilespmem:v44+s4+$0x0], $0xffff  }
0x6c: {  	v34 =	vld.idx.msk [tilespmem:v34+s4+$0x0], $0xffff  }
0x6d: {  	v41 =	vld.idx.msk [tilespmem:v41+s4+$0x0], $0xffff  }
0x6e: {  	v52 =	vld.idx.msk [tilespmem:v46+s4+$0x0], $0xffff  }
0x6f: {  	v53 =	vld.idx.msk [tilespmem:v43+s4+$0x0], $0xffff  }
0x70: {  	v54 =	vld.idx.msk [tilespmem:v47+s4+$0x0], $0xffff  }
0x71: {  	v43 =	vld.idx.msk [tilespmem:v29+s4+$0x0], $0xffff  }
0x72: {  	v46 =	vld.idx.msk [tilespmem:v30+s4+$0x0], $0xffff  }
0x73: {  	s30 =	simm.s32 $0x100;
	v44 =	vld.idx.msk [tilespmem:v32+s4+$0x0], $0xffff  }
0x74: {  	v61 =	vmov s30;
	v47 =	vld.idx.msk [tilespmem:v33+s4+$0x0], $0xffff  }
0x75: {  	v42 =	vshrl.u32 v61, $0x7;
	v51 =	vld.idx.msk [tilespmem:v51+s4+$0x0], $0xffff  }
0x76: {  	v42 =	vshll.u32 v42, v0;
	v40 =	vld.idx.msk [tilespmem:v40+s4+$0x0], $0xffff  }
0x77: {  	v58 =	vbroadcast v42, $0x0;
	v42 =	vld.idx.msk [tilespmem:v35+s4+$0x0], $0xffff  }
0x78: {  	v23 =	vld.idx.msk [tilespmem:v23+s12+$0x0], $0xffff  }
0x79: {  	v24 =	vld.idx.msk [tilespmem:v24+s12+$0x0], $0xffff  }
0x7a: {  	v55 =	vld.idx.msk [tilespmem:v45+s4+$0x0], $0xffff  }
0x7b: {  	v56 =	vld.idx.msk [tilespmem:v48+s4+$0x0], $0xffff  }
0x7c: {  	v62 =	vor.u32 v7, v58;
	v49 =	vld.idx.msk [tilespmem:v49+s4+$0x0], $0xffff  }
0x7d: {  	v57 =	vld.idx.msk [tilespmem:v50+s4+$0x0], $0xffff  }
0x7e: {  	s25 =	simm.s32 $0x190;
	v45 =	vld.idx.msk [tilespmem:v27+s4+$0x0], $0xffff  }
0x7f: {  	v60 =	vmov s25;
	v63 =	vor.u32 v8, v58;
	v50 =	vld.idx.msk [tilespmem:v28+s4+$0x0], $0xffff  }
0x80: {  	v29 =	vor.u32 v3, v58;
	vm1 =	veq.s32 v25, v26;
	v25 =	vor.u32 v5, v58;
	v48 =	vld.idx.msk [tilespmem:v18+s4+$0x0], $0xffff  }
0x81: {  	v59 =	vor.u32 v11, v58;
	vm8 =	veq.s32 v19, v20;
	v20 =	vor.u32 v12, v58;
	v32 =	vld.idx.msk [tilespmem:v62+s12+$0x0], $0xffff  }
0x82: {  	vm15 =	veq.s32 v31, v34;
	vm4 =	veq.s32 v41, v52;
	v18 =	vor.u32 v6, v58;
	v23 =	vld.idx.msk [tilespmem:v23+s4+$0x0], $0xffff  }
0x83: {  	vm5 =	veq.s32 v53, v54;
	vm9 =	veq.s32 v21, v22;
	v22 =	vor.u32 v13, v58;
	v24 =	vld.idx.msk [tilespmem:v24+s4+$0x0], $0xffff  }
0x84: {  	vm10 =	veq.s32 v38, v39;
	vm11 =	veq.s32 v36, v37;
	v27 =	vor.u32 v1, v58;
	v33 =	vld.idx.msk [tilespmem:v63+s12+$0x0], $0xffff  }
0x85: {  	v35 =	vnsel vm1, $0x0, v17;
	v34 =	vnsel vm15, $0x0, v17;
	v30 =	vld.idx.msk [tilespmem:v25+s12+$0x0], $0xffff;
	v25 =	vor.u32 v10, v58  }
0x86: {  	s31 =	simm.s32 $0x180;
	s28 =	simm.s32 $0x1B0;
	v52 =	vnsel vm5, $0x0, v17;
	v28 =	vor.u32 v2, v58;
	vm2 =	veq.s32 v51, v40;
	v20 =	vld.idx.msk [tilespmem:v20+s12+$0x0], $0xffff  }
0x87: {  	v51 =	vshrl.u32 v60, $0x7;
	v60 =	vmov s28;
	v31 =	vld.idx.msk [tilespmem:v18+s12+$0x0], $0xffff;
	v18 =	vmov s31  }
0x88: {  	v22 =	vld.idx.msk [tilespmem:v22+s12+$0x0], $0xffff;
	v18 =	vshrl.u32 v18, $0x7;
	vm0 =	veq.s32 v23, v24;
	v23 =	vor.u32 v4, v58  }
0x89: {  	s26 =	simm.s32 $0x1A0;
	v51 =	vshll.u32 v51, v0;
	v62 =	vor.u32 v16, v58;
	v26 =	vld.idx.msk [tilespmem:v27+s12+$0x0], $0xffff;
	v21 =	vshll.u32 v18, v0  }
0x8a: {  	v63 =	vmov s26;
	v18 =	vld.idx.msk [tilespmem:v25+s12+$0x0], $0xffff;
	v25 =	vor.u32 v15, v58;
	v61 =	vbroadcast v21, $0x0  }
0x8b: {  	v27 =	vld.idx.msk [tilespmem:v28+s12+$0x0], $0xffff;
	vm6 =	veq.s32 v55, v56;
	vm7 =	veq.s32 v49, v57;
	v55 =	vshrl.u32 v63, $0x7  }
0x8c: {  	v28 =	vld.idx.msk [tilespmem:v29+s12+$0x0], $0xffff;
	v57 =	vshrl.u32 v60, $0x7;
	v55 =	vshll.u32 v55, v0;
	v54 =	vor.u32 v2, v61  }
0x8d: {  	v57 =	vshll.u32 v57, v0;
	v55 =	vbroadcast v55, $0x0;
	v29 =	vld.idx.msk [tilespmem:v23+s12+$0x0], $0xffff;
	v23 =	vor.u32 v9, v58  }
0x8e: {  	s24 =	simm.s32 $0x1C380;
	s25 =	simm.s32 $0x1C0;
	v51 =	vbroadcast v51, $0x0;
	v57 =	vbroadcast v57, $0x0;
	v21 =	vld.idx.msk [tilespmem:v59+s12+$0x0], $0xffff;
	v56 =	vor.u32 v1, v61  }
0x8f: {  	s29 =	simm.s32 $0x1D0;
	[tilespmem:s24+$0x30] =	vst v52;
	v59 =	vmov s25;
	v60 =	vor.u32 v5, v55;
	v24 =	vnsel vm0, $0x0, v17;
	v25 =	vld.idx.msk [tilespmem:v25+s12+$0x0], $0xffff  }
0x90: {  	v63 =	vmov s29;
	v52 =	vor.u32 v8, v57;
	v61 =	vshrl.u32 v59, $0x7;
	[tilespmem:s24+$0x70] =	vst v24;
	v24 =	vld.idx.msk [tilespmem:v62+s12+$0x0], $0xffff  }
0x91: {  	[tilespmem:s24+$0x0] =	vst v35;
	v49 =	vnsel vm7, $0x0, v17;
	v62 =	vshll.u32 v61, v0;
	v35 =	vld.idx.msk [tilespmem:v54+s12+$0x0], $0xffff;
	v54 =	vor.u32 v7, v57  }
0x92: {  	v61 =	vshrl.u32 v63, $0x7;
	v19 =	vld.idx.msk [tilespmem:v23+s12+$0x0], $0xffff;
	v23 =	vor.u32 v14, v58;
	v58 =	vor.u32 v3, v51  }
0x93: {  	[tilespmem:s24+$0x10] =	vst v34;
	v59 =	vbroadcast v62, $0x0;
	v34 =	vld.idx.msk [tilespmem:v56+s12+$0x0], $0xffff;
	v56 =	vshll.u32 v61, v0;
	v51 =	vor.u32 v4, v51  }
0x94: {  	s30 =	simm.s32 $0x1E0;
	v53 =	vnsel vm6, $0x0, v17;
	[tilespmem:s24+$0x50] =	vst v49;
	v55 =	vor.u32 v6, v55;
	v49 =	vld.idx.msk [tilespmem:v60+s12+$0x0], $0xffff;
	v56 =	vbroadcast v56, $0x0  }
0x95: {  	v41 =	vnsel vm4, $0x0, v17;
	[tilespmem:s24+$0x40] =	vst v53;
	v62 =	vmov s30;
	v36 =	vld.idx.msk [tilespmem:v52+s12+$0x0], $0xffff;
	v53 =	vor.u32 v9, v59  }
0x96: {  	vm15 =	veq.s32 v42, v48;
	v63 =	vshrl.u32 v62, $0x7;
	v38 =	vld.idx.msk [tilespmem:v54+s12+$0x0], $0xffff;
	v54 =	vor.u32 v12, v56  }
0x97: {  	[tilespmem:s24+$0x20] =	vst v41;
	v42 =	vnsel vm15, $0x0, v17;
	v40 =	vld.idx.msk [tilespmem:v58+s12+$0x0], $0xffff;
	v58 =	vor.u32 v10, v59;
	v59 =	vshll.u32 v63, v0  }
0x98: {  	[tilespmem:s24+$0xFFFFFFF0] =	vst v42;
	v60 =	vnsel vm8, $0x0, v17;
	v41 =	vld.idx.msk [tilespmem:v51+s12+$0x0], $0xffff;
	v61 =	vbroadcast v59, $0x0  }
0x99: {  	v57 =	vnsel vm2, $0x0, v17;
	[tilespmem:s24+$0xFFFFFF80] =	vst v60;
	v51 =	vld.idx.msk [tilespmem:v55+s12+$0x0], $0xffff;
	v55 =	vor.u32 v11, v56  }
0x9a: {  	vm13 =	veq.s32 v43, v46;
	v62 =	vnsel vm9, $0x0, v17;
	[tilespmem:s24+$0x60] =	vst v57;
	v37 =	vld.idx.msk [tilespmem:v53+s12+$0x0], $0xffff;
	v56 =	vor.u32 v13, v61  }
0x9b: {  	vm14 =	veq.s32 v44, v47;
	[tilespmem:s24+$0xFFFFFF90] =	vst v62;
	v62 =	vnsel vm13, $0x0, v17;
	v44 =	vld.idx.msk [tilespmem:v54+s12+$0x0], $0xffff;
	v60 =	vor.u32 v14, v61  }
0x9c: {  	[tilespmem:s24+$0xFFFFFFD0] =	vst v62;
	v23 =	vld.idx.msk [tilespmem:v23+s12+$0x0], $0xffff;
	v63 =	vnsel vm10, $0x0, v17  }
0x9d: {  	[tilespmem:s24+$0xFFFFFFA0] =	vst v63;
	v59 =	vnsel vm11, $0x0, v17;
	v39 =	vld.idx.msk [tilespmem:v58+s12+$0x0], $0xffff  }
0x9e: {  	vm12 =	veq.s32 v45, v50;
	v63 =	vnsel vm14, $0x0, v17;
	[tilespmem:s24+$0xFFFFFFB0] =	vst v59;
	v43 =	vld.idx.msk [tilespmem:v55+s12+$0x0], $0xffff  }
0x9f: {  	s31 =	simm.s32 $0x1F0;
	[tilespmem:s24+$0xFFFFFFE0] =	vst v63;
	v61 =	vnsel vm12, $0x0, v17;
	v45 =	vld.idx.msk [tilespmem:v56+s12+$0x0], $0xffff  }
0xa0: {  	v46 =	vmov s31;
	s25 =	simm.s32 $0x200;
	[tilespmem:s24+$0xFFFFFFC0] =	vst v61;
	v42 =	vld.idx.msk [tilespmem:v60+s12+$0x0], $0xffff  }
.LBB2_4:
0xa1: {  	p3 =	slt.u32 s25, $0x900;
	v26 =	vld.idx.msk [tilespmem:v26+s4+$0x0], $0xffff;
	v46 =	vshrl.u32 v46, $0x7  }
0xa2: {  	v27 =	vld.idx.msk [tilespmem:v27+s4+$0x0], $0xffff;
	v46 =	vshll.u32 v46, v0  }
0xa3: {  	v28 =	vld.idx.msk [tilespmem:v28+s4+$0x0], $0xffff;
	v46 =	vbroadcast v46, $0x0  }
0xa4: {  	v29 =	vld.idx.msk [tilespmem:v29+s4+$0x0], $0xffff  }
0xa5: {  	v30 =	vld.idx.msk [tilespmem:v30+s4+$0x0], $0xffff;
	v47 =	vor.u32 v15, v46  }
0xa6: {  	v46 =	vor.u32 v16, v46;
	v31 =	vld.idx.msk [tilespmem:v31+s4+$0x0], $0xffff  }
0xa7: {  	v32 =	vld.idx.msk [tilespmem:v32+s4+$0x0], $0xffff  }
0xa8: {  	v33 =	vld.idx.msk [tilespmem:v33+s4+$0x0], $0xffff  }
0xa9: {  	v34 =	vld.idx.msk [tilespmem:v34+s4+$0x0], $0xffff  }
0xaa: {  	v47 =	vld.idx.msk [tilespmem:v47+s12+$0x0], $0xffff  }
0xab: {  	v46 =	vld.idx.msk [tilespmem:v46+s12+$0x0], $0xffff  }
0xac: {  	v35 =	vld.idx.msk [tilespmem:v35+s4+$0x0], $0xffff  }
0xad: {  	v40 =	vld.idx.msk [tilespmem:v40+s4+$0x0], $0xffff  }
0xae: {  	v41 =	vld.idx.msk [tilespmem:v41+s4+$0x0], $0xffff  }
0xaf: {  	v48 =	vld.idx.msk [tilespmem:v49+s4+$0x0], $0xffff  }
0xb0: {  	v49 =	vld.idx.msk [tilespmem:v51+s4+$0x0], $0xffff  }
0xb1: {  	v38 =	vld.idx.msk [tilespmem:v38+s4+$0x0], $0xffff  }
0xb2: {  	v47 =	vld.idx.msk [tilespmem:v47+s4+$0x0], $0xffff  }
0xb3: {  	v46 =	vld.idx.msk [tilespmem:v46+s4+$0x0], $0xffff  }
0xb4: {  	v36 =	vld.idx.msk [tilespmem:v36+s4+$0x0], $0xffff  }
0xb5: {  	v37 =	vld.idx.msk [tilespmem:v37+s4+$0x0], $0xffff  }
0xb6: {  	v39 =	vld.idx.msk [tilespmem:v39+s4+$0x0], $0xffff  }
0xb7: {  	v43 =	vld.idx.msk [tilespmem:v43+s4+$0x0], $0xffff  }
0xb8: {  	v44 =	vld.idx.msk [tilespmem:v44+s4+$0x0], $0xffff  }
0xb9: {  	v50 =	vmov s25;
	vm0 =	veq.s32 v47, v46;
	v45 =	vld.idx.msk [tilespmem:v45+s4+$0x0], $0xffff  }
0xba: {  	s24 =	sadd.s32 $0x100, s24;
	vm1 =	veq.s32 v34, v35;
	v46 =	vshrl.u32 v50, $0x7;
	v35 =	vnsel vm0, $0x0, v17;
	v34 =	vld.idx.msk [tilespmem:v42+s4+$0x0], $0xffff  }
0xbb: {  	vm0 =	veq.s32 v40, v41;
	v42 =	vshll.u32 v46, v0;
	v46 =	vnsel vm1, $0x0, v17;
	v19 =	vld.idx.msk [tilespmem:v19+s4+$0x0], $0xffff;
	[tilespmem:s24+$0x70] =	vst v35  }
0xbc: {  	v40 =	vnsel vm0, $0x0, v17;
	vm0 =	veq.s32 v48, v49;
	v35 =	vbroadcast v42, $0x0;
	v18 =	vld.idx.msk [tilespmem:v18+s4+$0x0], $0xffff;
	[tilespmem:s24+$0x0] =	vst v46  }
0xbd: {  	v21 =	vld.idx.msk [tilespmem:v21+s4+$0x0], $0xffff;
	[tilespmem:s24+$0x10] =	vst v40;
	v40 =	vnsel vm0, $0x0, v17;
	vm0 =	veq.s32 v38, v36  }
0xbe: {  	v36 =	vor.u32 v1, v35;
	v20 =	vld.idx.msk [tilespmem:v20+s4+$0x0], $0xffff;
	[tilespmem:s24+$0x20] =	vst v40;
	v38 =	vnsel vm0, $0x0, v17;
	vm0 =	veq.s32 v37, v39  }
0xbf: {  	v37 =	vor.u32 v2, v35;
	v22 =	vld.idx.msk [tilespmem:v22+s4+$0x0], $0xffff;
	[tilespmem:s24+$0x30] =	vst v38;
	v38 =	vnsel vm0, $0x0, v17;
	vm0 =	veq.s32 v43, v44  }
0xc0: {  	v39 =	vor.u32 v3, v35;
	v23 =	vld.idx.msk [tilespmem:v23+s4+$0x0], $0xffff;
	[tilespmem:s24+$0x40] =	vst v38;
	v38 =	vnsel vm0, $0x0, v17;
	vm0 =	veq.s32 v45, v34  }
0xc1: {  	vm1 =	veq.s32 v26, v27;
	v34 =	vor.u32 v4, v35;
	v25 =	vld.idx.msk [tilespmem:v25+s4+$0x0], $0xffff;
	[tilespmem:s24+$0x50] =	vst v38;
	v26 =	vnsel vm0, $0x0, v17  }
0xc2: {  	v27 =	vnsel vm1, $0x0, v17;
	v38 =	vor.u32 v5, v35;
	vm0 =	veq.s32 v28, v29;
	v24 =	vld.idx.msk [tilespmem:v24+s4+$0x0], $0xffff;
	[tilespmem:s24+$0x60] =	vst v26  }
0xc3: {  	v28 =	vnsel vm0, $0x0, v17;
	vm0 =	veq.s32 v30, v31;
	v26 =	vld.idx.msk [tilespmem:v36+s12+$0x0], $0xffff;
	v36 =	vor.u32 v6, v35;
	[tilespmem:s24+$0xFFFFFF80] =	vst v27  }
0xc4: {  	v29 =	vnsel vm0, $0x0, v17;
	vm0 =	veq.s32 v32, v33;
	v27 =	vld.idx.msk [tilespmem:v37+s12+$0x0], $0xffff;
	v37 =	vor.u32 v7, v35;
	[tilespmem:s24+$0xFFFFFF90] =	vst v28  }
0xc5: {  	v33 =	vor.u32 v8, v35;
	v30 =	vnsel vm0, $0x0, v17;
	vm0 =	veq.s32 v19, v18;
	v28 =	vld.idx.msk [tilespmem:v39+s12+$0x0], $0xffff;
	[tilespmem:s24+$0xFFFFFFA0] =	vst v29  }
0xc6: {  	v18 =	vor.u32 v9, v35;
	v19 =	vnsel vm0, $0x0, v17;
	vm0 =	veq.s32 v21, v20;
	v29 =	vld.idx.msk [tilespmem:v34+s12+$0x0], $0xffff;
	[tilespmem:s24+$0xFFFFFFB0] =	vst v30  }
0xc7: {  	v20 =	vor.u32 v10, v35;
	v30 =	vld.idx.msk [tilespmem:v38+s12+$0x0], $0xffff;
	[tilespmem:s24+$0xFFFFFFC0] =	vst v19;
	v19 =	vnsel vm0, $0x0, v17;
	vm0 =	veq.s32 v22, v23  }
0xc8: {  	s26 =	sadd.s32 $0x80, s25;
	v21 =	vor.u32 v11, v35;
	v31 =	vld.idx.msk [tilespmem:v36+s12+$0x0], $0xffff;
	[tilespmem:s24+$0xFFFFFFD0] =	vst v19;
	v19 =	vnsel vm0, $0x0, v17;
	vm0 =	veq.s32 v25, v24  }
0xc9: {  	v22 =	vor.u32 v12, v35;
	v23 =	vmov s26;
	v32 =	vld.idx.msk [tilespmem:v37+s12+$0x0], $0xffff;
	[tilespmem:s24+$0xFFFFFFE0] =	vst v19;
	v19 =	vnsel vm0, $0x0, v17  }
0xca: {  	s26 =	sadd.s32 $0x90, s25;
	v24 =	vor.u32 v13, v35;
	v23 =	vshrl.u32 v23, $0x7;
	v33 =	vld.idx.msk [tilespmem:v33+s12+$0x0], $0xffff;
	[tilespmem:s24+$0xFFFFFFF0] =	vst v19  }
0xcb: {  	v25 =	vor.u32 v14, v35;
	v34 =	vmov s26;
	v23 =	vshll.u32 v23, v0;
	v19 =	vld.idx.msk [tilespmem:v18+s12+$0x0], $0xffff  }
0xcc: {  	v36 =	vor.u32 v15, v35;
	s26 =	sadd.s32 $0xA0, s25;
	v23 =	vbroadcast v23, $0x0;
	v18 =	vld.idx.msk [tilespmem:v20+s12+$0x0], $0xffff;
	v20 =	vshrl.u32 v34, $0x7  }
0xcd: {  	v37 =	vmov s26;
	v34 =	vor.u32 v16, v35;
	v21 =	vld.idx.msk [tilespmem:v21+s12+$0x0], $0xffff;
	v35 =	vshll.u32 v20, v0  }
0xce: {  	s26 =	sadd.s32 $0xB0, s25;
	v37 =	vshrl.u32 v37, $0x7;
	v38 =	vor.u32 v1, v23;
	v20 =	vld.idx.msk [tilespmem:v22+s12+$0x0], $0xffff;
	v35 =	vbroadcast v35, $0x0  }
0xcf: {  	v39 =	vor.u32 v2, v23;
	v22 =	vld.idx.msk [tilespmem:v24+s12+$0x0], $0xffff;
	v24 =	vshll.u32 v37, v0;
	v37 =	vmov s26  }
0xd0: {  	s26 =	sadd.s32 $0xC0, s25;
	v23 =	vld.idx.msk [tilespmem:v25+s12+$0x0], $0xffff;
	v40 =	vor.u32 v3, v35;
	v41 =	vbroadcast v24, $0x0;
	v24 =	vshrl.u32 v37, $0x7  }
0xd1: {  	v37 =	vmov s26;
	v25 =	vld.idx.msk [tilespmem:v36+s12+$0x0], $0xffff;
	v36 =	vor.u32 v4, v35;
	v35 =	vshll.u32 v24, v0  }
0xd2: {  	s26 =	sadd.s32 $0xD0, s25;
	v24 =	vld.idx.msk [tilespmem:v34+s12+$0x0], $0xffff;
	v42 =	vor.u32 v5, v41;
	v43 =	vbroadcast v35, $0x0;
	v35 =	vshrl.u32 v37, $0x7  }
0xd3: {  	v37 =	vor.u32 v6, v41;
	v41 =	vmov s26;
	v34 =	vld.idx.msk [tilespmem:v38+s12+$0x0], $0xffff;
	v38 =	vshll.u32 v35, v0  }
0xd4: {  	s26 =	sadd.s32 $0xE0, s25;
	v41 =	vshrl.u32 v41, $0x7;
	v35 =	vld.idx.msk [tilespmem:v39+s12+$0x0], $0xffff;
	v39 =	vor.u32 v7, v43;
	v38 =	vbroadcast v38, $0x0  }
0xd5: {  	v45 =	vmov s26;
	v43 =	vor.u32 v8, v43;
	v44 =	vshll.u32 v41, v0;
	v40 =	vld.idx.msk [tilespmem:v40+s12+$0x0], $0xffff  }
0xd6: {  	v41 =	vld.idx.msk [tilespmem:v36+s12+$0x0], $0xffff;
	v46 =	vor.u32 v9, v38;
	v36 =	vbroadcast v44, $0x0;
	v44 =	vshrl.u32 v45, $0x7  }
0xd7: {  	v49 =	vld.idx.msk [tilespmem:v42+s12+$0x0], $0xffff;
	v42 =	vor.u32 v10, v38;
	v38 =	vshll.u32 v44, v0  }
0xd8: {  	v51 =	vld.idx.msk [tilespmem:v37+s12+$0x0], $0xffff;
	v44 =	vor.u32 v11, v36;
	v45 =	vbroadcast v38, $0x0  }
0xd9: {  	v47 =	vor.u32 v12, v36;
	v38 =	vld.idx.msk [tilespmem:v39+s12+$0x0], $0xffff  }
0xda: {  	v36 =	vld.idx.msk [tilespmem:v43+s12+$0x0], $0xffff;
	v48 =	vor.u32 v13, v45  }
0xdb: {  	v37 =	vld.idx.msk [tilespmem:v46+s12+$0x0], $0xffff;
	v46 =	vor.u32 v14, v45  }
.Ltmp5:
0xdc: {  	v39 =	vld.idx.msk [tilespmem:v42+s12+$0x0], $0xffff;
	(pc) =	sbr.rel @p3 .LBB2_4-.Ltmp5, $4  }
0xdd: {  	v43 =	vld.idx.msk [tilespmem:v44+s12+$0x0], $0xffff  }
0xde: {  	v44 =	vld.idx.msk [tilespmem:v47+s12+$0x0], $0xffff  }
0xdf: {  	s26 =	sadd.s32 $0xF0, s25;
	v45 =	vld.idx.msk [tilespmem:v48+s12+$0x0], $0xffff  }
0xe0: {  	s25 =	sadd.s32 $0x100, s25;
	v42 =	vld.idx.msk [tilespmem:v46+s12+$0x0], $0xffff;
	v46 =	vmov s26  }
0xe1: {  	_ =	sdelay $0x3  }
0xe2: {  	v26 =	vld.idx.msk [tilespmem:v26+s4+$0x0], $0xffff  }
0xe3: {  	v27 =	vld.idx.msk [tilespmem:v27+s4+$0x0], $0xffff  }
0xe4: {  	v28 =	vld.idx.msk [tilespmem:v28+s4+$0x0], $0xffff  }
0xe5: {  	v29 =	vld.idx.msk [tilespmem:v29+s4+$0x0], $0xffff  }
0xe6: {  	v30 =	vld.idx.msk [tilespmem:v30+s4+$0x0], $0xffff  }
0xe7: {  	v31 =	vld.idx.msk [tilespmem:v31+s4+$0x0], $0xffff  }
0xe8: {  	v32 =	vld.idx.msk [tilespmem:v32+s4+$0x0], $0xffff  }
0xe9: {  	v33 =	vld.idx.msk [tilespmem:v33+s4+$0x0], $0xffff  }
0xea: {  	v34 =	vld.idx.msk [tilespmem:v34+s4+$0x0], $0xffff  }
0xeb: {  	v35 =	vld.idx.msk [tilespmem:v35+s4+$0x0], $0xffff  }
0xec: {  	v40 =	vld.idx.msk [tilespmem:v40+s4+$0x0], $0xffff  }
0xed: {  	v41 =	vld.idx.msk [tilespmem:v41+s4+$0x0], $0xffff  }
0xee: {  	v48 =	vld.idx.msk [tilespmem:v49+s4+$0x0], $0xffff  }
0xef: {  	v63 =	vld.idx.msk [tilespmem:v51+s4+$0x0], $0xffff  }
0xf0: {  	v38 =	vld.idx.msk [tilespmem:v38+s4+$0x0], $0xffff  }
0xf1: {  	v46 =	vshrl.u32 v46, $0x7;
	v36 =	vld.idx.msk [tilespmem:v36+s4+$0x0], $0xffff  }
0xf2: {  	v37 =	vld.idx.msk [tilespmem:v37+s4+$0x0], $0xffff;
	v46 =	vshll.u32 v46, v0  }
0xf3: {  	v39 =	vld.idx.msk [tilespmem:v39+s4+$0x0], $0xffff;
	v46 =	vbroadcast v46, $0x0  }
0xf4: {  	v19 =	vld.idx.msk [tilespmem:v19+s4+$0x0], $0xffff  }
0xf5: {  	v18 =	vld.idx.msk [tilespmem:v18+s4+$0x0], $0xffff;
	v47 =	vor.u32 v15, v46  }
0xf6: {  	v21 =	vld.idx.msk [tilespmem:v21+s4+$0x0], $0xffff;
	v46 =	vor.u32 v16, v46  }
0xf7: {  	v20 =	vld.idx.msk [tilespmem:v20+s4+$0x0], $0xffff  }
0xf8: {  	v22 =	vld.idx.msk [tilespmem:v22+s4+$0x0], $0xffff  }
0xf9: {  	v23 =	vld.idx.msk [tilespmem:v23+s4+$0x0], $0xffff;
	vm1 =	veq.s32 v34, v35  }
0xfa: {  	s24 =	sadd.s32 $0x100, s24;
	vm14 =	veq.s32 v40, v41;
	v54 =	vnsel vm1, $0x0, v17;
	v47 =	vld.idx.msk [tilespmem:v47+s12+$0x0], $0xffff  }
0xfb: {  	vm15 =	veq.s32 v48, v63;
	v55 =	vnsel vm14, $0x0, v17;
	[tilespmem:s24+$0x0] =	vst v54;
	v46 =	vld.idx.msk [tilespmem:v46+s12+$0x0], $0xffff  }
0xfc: {  	v25 =	vld.idx.msk [tilespmem:v25+s4+$0x0], $0xffff;
	vm4 =	veq.s32 v38, v36;
	v56 =	vnsel vm15, $0x0, v17;
	[tilespmem:s24+$0x10] =	vst v55  }
0xfd: {  	v24 =	vld.idx.msk [tilespmem:v24+s4+$0x0], $0xffff;
	vm5 =	veq.s32 v37, v39;
	v57 =	vnsel vm4, $0x0, v17;
	[tilespmem:s24+$0x20] =	vst v56  }
0xfe: {  	v43 =	vld.idx.msk [tilespmem:v43+s4+$0x0], $0xffff;
	vm8 =	veq.s32 v26, v27;
	v58 =	vnsel vm5, $0x0, v17;
	[tilespmem:s24+$0x30] =	vst v57  }
0xff: {  	v44 =	vld.idx.msk [tilespmem:v44+s4+$0x0], $0xffff;
	vm9 =	veq.s32 v28, v29;
	v27 =	vnsel vm8, $0x0, v17;
	[tilespmem:s24+$0x40] =	vst v58  }
0x100: {  	v45 =	vld.idx.msk [tilespmem:v45+s4+$0x0], $0xffff;
	vm10 =	veq.s32 v30, v31;
	v61 =	vnsel vm9, $0x0, v17;
	[tilespmem:s24+$0xFFFFFF80] =	vst v27  }
0x101: {  	v53 =	vld.idx.msk [tilespmem:v42+s4+$0x0], $0xffff;
	vm11 =	veq.s32 v32, v33;
	v62 =	vnsel vm10, $0x0, v17;
	[tilespmem:s24+$0xFFFFFF90] =	vst v61  }
0x102: {  	vm12 =	veq.s32 v19, v18;
	v63 =	vnsel vm11, $0x0, v17;
	[tilespmem:s24+$0xFFFFFFA0] =	vst v62;
	v47 =	vld.idx.msk [tilespmem:v47+s4+$0x0], $0xffff  }
0x103: {  	vm13 =	veq.s32 v21, v20;
	v18 =	vnsel vm12, $0x0, v17;
	[tilespmem:s24+$0xFFFFFFB0] =	vst v63;
	v46 =	vld.idx.msk [tilespmem:v46+s4+$0x0], $0xffff  }
0x104: {  	vm6 =	veq.s32 v43, v44;
	[tilespmem:s24+$0xFFFFFFC0] =	vst v18;
	v18 =	vnsel vm13, $0x0, v17  }
0x105: {  	s25 =	smul.u32 $0x60, s21;
	vm14 =	veq.s32 v22, v23;
	v59 =	vnsel vm6, $0x0, v17;
	[tilespmem:s24+$0xFFFFFFD0] =	vst v18  }
0x106: {  	vm15 =	veq.s32 v25, v24;
	v18 =	vnsel vm14, $0x0, v17;
	[tilespmem:s24+$0x50] =	vst v59  }
0x107: {  	s25 =	sor.u32 s5, s25;
	vm7 =	veq.s32 v45, v53;
	[tilespmem:s24+$0xFFFFFFE0] =	vst v18;
	v18 =	vnsel vm15, $0x0, v17  }
0x108: {  	s25 =	smul.u32 $0x140, s25;
	v60 =	vnsel vm7, $0x0, v17;
	[tilespmem:s24+$0xFFFFFFF0] =	vst v18;
	vm0 =	veq.s32 v47, v46  }
0x109: {  	[tilespmem:s24+$0x60] =	vst v60;
	v52 =	vnsel vm0, $0x0, v17  }
0x10a: {  	s31 =	sadd.s32 s3, s25;
	[tilespmem:s24+$0x70] =	vst v52  }
0x10b: {  	[hbm4b:s31+s4] =	stream.linear.scatter [tilespmem:s16], [sflag:$0x4], $0xA00, $0x38;
	[tilespmem:$0x1E180] =	vst v63  }
.LBB2_6:
0x10c: {  	s24 =	sadd.s32 $0x3, s23  }
0x10d: {  	p3 =	sge.u32 s24, s8  }
0x10e: {  	s24 =	sshll.u32 @!p3 s24, $0x5  }
0x10f: {  	s24 =	sor.u32 @!p3 s5, s24  }
0x110: {  	s25 =	smul.u32 @!p3 $0x280, s24  }
0x111: {  	s26 =	simm.s32 @!p3 $0x0  }
0x112: {  	s28 =	simm.s32 @!p3 $0x18700;
	s24 =	sadd.s32 $0x1, s23;
	s25 =	sadd.s32 @!p3 s1, s25  }
0x113: {  	[tilespmem:s28], [sflag:$0x1] =	stream.linear.gather @!p3 [hbm4b:s25+s26], $0x1400, $0x38;
	[tilespmem:$0x1E180] =	vst v63  }
0x114: {  	p3 =	sge.u32 s24, s8  }
0x115: {  	s25 =	simm.s32 @!p3 $0x2  }
0x116: {  	_ =	swait.ge @!p3 [sflag:s25], $0x1400  }
.Ltmp6:
0x117: {  	[sflag:s25] =	ssyncset.done @!p3 $0x0;
	(pc) =	sbr.rel @p3 .LBB2_10-.Ltmp6, $4  }
0x118: {  	[sflag:s25] =	ssyncadd.s32 @!p3 $0xFFFFEC00;
	s25 =	simm.s32 @!p2 $0x5  }
0x119: {  	_ =	swait.ge @!p2 [sflag:s25], $0xA00  }
0x11a: {  	[sflag:s25] =	ssyncset.done @!p2 $0x0  }
0x11b: {  	[sflag:s25] =	ssyncadd.s32 @!p2 $0xFFFFF600  }
0x11c: {  	s25 =	simm.s32 $0x0  }
0x11d: {  	v18 =	vmov s25  }
0x11e: {  	v18 =	vshrl.u32 v18, $0x7  }
0x11f: {  	v18 =	vshll.u32 v18, v0  }
0x120: {  	v18 =	vbroadcast v18, $0x0;
	_ =	sdelay $0x1  }
0x121: {  	v19 =	vor.u32 v1, v18  }
0x122: {  	v20 =	vor.u32 v2, v18  }
0x123: {  	v21 =	vor.u32 v3, v18  }
0x124: {  	v22 =	vor.u32 v4, v18  }
0x125: {  	v23 =	vor.u32 v5, v18  }
0x126: {  	v24 =	vor.u32 v6, v18;
	v19 =	vld.idx.msk [tilespmem:v19+s13+$0x0], $0xffff  }
0x127: {  	v25 =	vor.u32 v7, v18;
	v20 =	vld.idx.msk [tilespmem:v20+s13+$0x0], $0xffff  }
0x128: {  	v26 =	vor.u32 v8, v18;
	v21 =	vld.idx.msk [tilespmem:v21+s13+$0x0], $0xffff  }
0x129: {  	s31 =	simm.s32 $0x80;
	s26 =	simm.s32 $0x90;
	v27 =	vor.u32 v9, v18;
	v22 =	vld.idx.msk [tilespmem:v22+s13+$0x0], $0xffff  }
0x12a: {  	s28 =	simm.s32 $0xA0;
	s29 =	simm.s32 $0xB0;
	v31 =	vmov s31;
	v34 =	vmov s26;
	v28 =	vor.u32 v10, v18;
	v23 =	vld.idx.msk [tilespmem:v23+s13+$0x0], $0xffff  }
0x12b: {  	s30 =	simm.s32 $0xC0;
	v36 =	vmov s28;
	v38 =	vmov s29;
	v29 =	vor.u32 v11, v18;
	v24 =	vld.idx.msk [tilespmem:v24+s13+$0x0], $0xffff  }
0x12c: {  	v40 =	vmov s30;
	v31 =	vshrl.u32 v31, $0x7;
	v30 =	vor.u32 v12, v18;
	v25 =	vld.idx.msk [tilespmem:v25+s13+$0x0], $0xffff  }
0x12d: {  	v34 =	vshrl.u32 v34, $0x7;
	v36 =	vshrl.u32 v36, $0x7;
	v32 =	vor.u32 v13, v18;
	v26 =	vld.idx.msk [tilespmem:v26+s13+$0x0], $0xffff  }
0x12e: {  	v38 =	vshrl.u32 v38, $0x7;
	v31 =	vshll.u32 v31, v0;
	v33 =	vor.u32 v14, v18;
	v27 =	vld.idx.msk [tilespmem:v27+s13+$0x0], $0xffff  }
0x12f: {  	s31 =	simm.s32 $0xD0;
	v40 =	vshrl.u32 v40, $0x7;
	v31 =	vbroadcast v31, $0x0;
	v35 =	vor.u32 v15, v18;
	v28 =	vld.idx.msk [tilespmem:v28+s13+$0x0], $0xffff  }
0x130: {  	s26 =	simm.s32 $0xE0;
	v55 =	vmov s31;
	v34 =	vshll.u32 v34, v0;
	v18 =	vor.u32 v16, v18;
	v29 =	vld.idx.msk [tilespmem:v29+s13+$0x0], $0xffff  }
0x131: {  	v57 =	vmov s26;
	v34 =	vbroadcast v34, $0x0;
	v37 =	vor.u32 v1, v31;
	v30 =	vld.idx.msk [tilespmem:v30+s13+$0x0], $0xffff  }
0x132: {  	v36 =	vshll.u32 v36, v0;
	v38 =	vshll.u32 v38, v0;
	v31 =	vor.u32 v2, v31;
	v32 =	vld.idx.msk [tilespmem:v32+s13+$0x0], $0xffff  }
0x133: {  	v54 =	vshll.u32 v40, v0;
	v36 =	vbroadcast v36, $0x0;
	v39 =	vor.u32 v3, v34;
	v33 =	vld.idx.msk [tilespmem:v33+s13+$0x0], $0xffff  }
0x134: {  	v40 =	vshrl.u32 v55, $0x7;
	v38 =	vbroadcast v38, $0x0;
	v34 =	vor.u32 v4, v34;
	v35 =	vld.idx.msk [tilespmem:v35+s13+$0x0], $0xffff  }
0x135: {  	v56 =	vshll.u32 v40, v0;
	v40 =	vshrl.u32 v57, $0x7;
	v41 =	vor.u32 v5, v36;
	v18 =	vld.idx.msk [tilespmem:v18+s13+$0x0], $0xffff  }
0x136: {  	v40 =	vshll.u32 v40, v0;
	v36 =	vor.u32 v6, v36;
	v42 =	vld.idx.msk [tilespmem:v37+s13+$0x0], $0xffff  }
0x137: {  	v43 =	vor.u32 v7, v38;
	v40 =	vbroadcast v40, $0x0;
	v31 =	vld.idx.msk [tilespmem:v31+s13+$0x0], $0xffff  }
0x138: {  	v38 =	vor.u32 v8, v38;
	v44 =	vld.idx.msk [tilespmem:v39+s13+$0x0], $0xffff  }
0x139: {  	v59 =	vor.u32 v13, v40;
	v37 =	vbroadcast v54, $0x0;
	v34 =	vld.idx.msk [tilespmem:v34+s13+$0x0], $0xffff  }
0x13a: {  	v40 =	vor.u32 v14, v40;
	v41 =	vld.idx.msk [tilespmem:v41+s13+$0x0], $0xffff  }
0x13b: {  	v39 =	vbroadcast v56, $0x0;
	v46 =	vld.idx.msk [tilespmem:v36+s13+$0x0], $0xffff;
	v45 =	vor.u32 v9, v37  }
0x13c: {  	v43 =	vld.idx.msk [tilespmem:v43+s13+$0x0], $0xffff;
	v37 =	vor.u32 v10, v37  }
0x13d: {  	v47 =	vld.idx.msk [tilespmem:v38+s13+$0x0], $0xffff;
	v58 =	vor.u32 v11, v39  }
0x13e: {  	v39 =	vor.u32 v12, v39;
	v51 =	vld.idx.msk [tilespmem:v59+s13+$0x0], $0xffff  }
0x13f: {  	v40 =	vld.idx.msk [tilespmem:v40+s13+$0x0], $0xffff  }
0x140: {  	v45 =	vld.idx.msk [tilespmem:v45+s13+$0x0], $0xffff  }
0x141: {  	v48 =	vld.idx.msk [tilespmem:v37+s13+$0x0], $0xffff  }
0x142: {  	v49 =	vld.idx.msk [tilespmem:v58+s13+$0x0], $0xffff  }
0x143: {  	v50 =	vld.idx.msk [tilespmem:v39+s13+$0x0], $0xffff  }
0x144: {  	s28 =	simm.s32 $0xF0;
	v19 =	vld.idx.msk [tilespmem:v19+s4+$0x0], $0xffff  }
0x145: {  	v60 =	vmov s28;
	v20 =	vld.idx.msk [tilespmem:v20+s4+$0x0], $0xffff  }
0x146: {  	v36 =	vshrl.u32 v60, $0x7;
	v21 =	vld.idx.msk [tilespmem:v21+s4+$0x0], $0xffff  }
0x147: {  	v36 =	vshll.u32 v36, v0;
	v22 =	vld.idx.msk [tilespmem:v22+s4+$0x0], $0xffff  }
0x148: {  	v36 =	vbroadcast v36, $0x0;
	v38 =	vld.idx.msk [tilespmem:v23+s4+$0x0], $0xffff  }
0x149: {  	v39 =	vld.idx.msk [tilespmem:v24+s4+$0x0], $0xffff  }
0x14a: {  	v23 =	vor.u32 v15, v36;
	v24 =	vor.u32 v16, v36;
	v36 =	vld.idx.msk [tilespmem:v25+s4+$0x0], $0xffff  }
0x14b: {  	v37 =	vld.idx.msk [tilespmem:v26+s4+$0x0], $0xffff  }
0x14c: {  	v25 =	vld.idx.msk [tilespmem:v42+s4+$0x0], $0xffff  }
0x14d: {  	v26 =	vld.idx.msk [tilespmem:v31+s4+$0x0], $0xffff  }
0x14e: {  	v31 =	vld.idx.msk [tilespmem:v44+s4+$0x0], $0xffff  }
0x14f: {  	v34 =	vld.idx.msk [tilespmem:v34+s4+$0x0], $0xffff  }
0x150: {  	v41 =	vld.idx.msk [tilespmem:v41+s4+$0x0], $0xffff  }
0x151: {  	v52 =	vld.idx.msk [tilespmem:v46+s4+$0x0], $0xffff  }
0x152: {  	v53 =	vld.idx.msk [tilespmem:v43+s4+$0x0], $0xffff  }
0x153: {  	v54 =	vld.idx.msk [tilespmem:v47+s4+$0x0], $0xffff  }
0x154: {  	v43 =	vld.idx.msk [tilespmem:v29+s4+$0x0], $0xffff  }
0x155: {  	v46 =	vld.idx.msk [tilespmem:v30+s4+$0x0], $0xffff  }
0x156: {  	s29 =	simm.s32 $0x100;
	v44 =	vld.idx.msk [tilespmem:v32+s4+$0x0], $0xffff  }
0x157: {  	v61 =	vmov s29;
	v47 =	vld.idx.msk [tilespmem:v33+s4+$0x0], $0xffff  }
0x158: {  	v42 =	vshrl.u32 v61, $0x7;
	v51 =	vld.idx.msk [tilespmem:v51+s4+$0x0], $0xffff  }
0x159: {  	v42 =	vshll.u32 v42, v0;
	v40 =	vld.idx.msk [tilespmem:v40+s4+$0x0], $0xffff  }
0x15a: {  	v58 =	vbroadcast v42, $0x0;
	v42 =	vld.idx.msk [tilespmem:v35+s4+$0x0], $0xffff  }
0x15b: {  	v23 =	vld.idx.msk [tilespmem:v23+s13+$0x0], $0xffff  }
0x15c: {  	v24 =	vld.idx.msk [tilespmem:v24+s13+$0x0], $0xffff  }
0x15d: {  	v55 =	vld.idx.msk [tilespmem:v45+s4+$0x0], $0xffff  }
0x15e: {  	v56 =	vld.idx.msk [tilespmem:v48+s4+$0x0], $0xffff  }
0x15f: {  	v62 =	vor.u32 v7, v58;
	v49 =	vld.idx.msk [tilespmem:v49+s4+$0x0], $0xffff  }
0x160: {  	v57 =	vld.idx.msk [tilespmem:v50+s4+$0x0], $0xffff  }
0x161: {  	s31 =	simm.s32 $0x190;
	v45 =	vld.idx.msk [tilespmem:v27+s4+$0x0], $0xffff  }
0x162: {  	v60 =	vmov s31;
	v63 =	vor.u32 v8, v58;
	v50 =	vld.idx.msk [tilespmem:v28+s4+$0x0], $0xffff  }
0x163: {  	v29 =	vor.u32 v3, v58;
	vm1 =	veq.s32 v25, v26;
	v25 =	vor.u32 v5, v58;
	v48 =	vld.idx.msk [tilespmem:v18+s4+$0x0], $0xffff  }
0x164: {  	v59 =	vor.u32 v11, v58;
	vm8 =	veq.s32 v19, v20;
	v20 =	vor.u32 v12, v58;
	v32 =	vld.idx.msk [tilespmem:v62+s13+$0x0], $0xffff  }
0x165: {  	vm15 =	veq.s32 v31, v34;
	vm4 =	veq.s32 v41, v52;
	v18 =	vor.u32 v6, v58;
	v23 =	vld.idx.msk [tilespmem:v23+s4+$0x0], $0xffff  }
0x166: {  	vm5 =	veq.s32 v53, v54;
	vm9 =	veq.s32 v21, v22;
	v22 =	vor.u32 v13, v58;
	v24 =	vld.idx.msk [tilespmem:v24+s4+$0x0], $0xffff  }
0x167: {  	vm10 =	veq.s32 v38, v39;
	vm11 =	veq.s32 v36, v37;
	v27 =	vor.u32 v1, v58;
	v33 =	vld.idx.msk [tilespmem:v63+s13+$0x0], $0xffff  }
0x168: {  	v35 =	vnsel vm1, $0x0, v17;
	v34 =	vnsel vm15, $0x0, v17;
	v30 =	vld.idx.msk [tilespmem:v25+s13+$0x0], $0xffff;
	v25 =	vor.u32 v10, v58  }
0x169: {  	s30 =	simm.s32 $0x180;
	s28 =	simm.s32 $0x1B0;
	v52 =	vnsel vm5, $0x0, v17;
	v28 =	vor.u32 v2, v58;
	vm2 =	veq.s32 v51, v40;
	v20 =	vld.idx.msk [tilespmem:v20+s13+$0x0], $0xffff  }
0x16a: {  	v51 =	vshrl.u32 v60, $0x7;
	v60 =	vmov s28;
	v31 =	vld.idx.msk [tilespmem:v18+s13+$0x0], $0xffff;
	v18 =	vmov s30  }
0x16b: {  	v22 =	vld.idx.msk [tilespmem:v22+s13+$0x0], $0xffff;
	v18 =	vshrl.u32 v18, $0x7;
	vm0 =	veq.s32 v23, v24;
	v23 =	vor.u32 v4, v58  }
0x16c: {  	s26 =	simm.s32 $0x1A0;
	v51 =	vshll.u32 v51, v0;
	v62 =	vor.u32 v16, v58;
	v26 =	vld.idx.msk [tilespmem:v27+s13+$0x0], $0xffff;
	v21 =	vshll.u32 v18, v0  }
0x16d: {  	v63 =	vmov s26;
	v18 =	vld.idx.msk [tilespmem:v25+s13+$0x0], $0xffff;
	v25 =	vor.u32 v15, v58;
	v61 =	vbroadcast v21, $0x0  }
0x16e: {  	v27 =	vld.idx.msk [tilespmem:v28+s13+$0x0], $0xffff;
	vm6 =	veq.s32 v55, v56;
	vm7 =	veq.s32 v49, v57;
	v55 =	vshrl.u32 v63, $0x7  }
0x16f: {  	v28 =	vld.idx.msk [tilespmem:v29+s13+$0x0], $0xffff;
	v57 =	vshrl.u32 v60, $0x7;
	v55 =	vshll.u32 v55, v0;
	v54 =	vor.u32 v2, v61  }
0x170: {  	v57 =	vshll.u32 v57, v0;
	v55 =	vbroadcast v55, $0x0;
	v29 =	vld.idx.msk [tilespmem:v23+s13+$0x0], $0xffff;
	v23 =	vor.u32 v9, v58  }
0x171: {  	s25 =	simm.s32 $0x1CD80;
	v51 =	vbroadcast v51, $0x0;
	s26 =	simm.s32 $0x1C0;
	v57 =	vbroadcast v57, $0x0;
	v21 =	vld.idx.msk [tilespmem:v59+s13+$0x0], $0xffff;
	v56 =	vor.u32 v1, v61  }
0x172: {  	s29 =	simm.s32 $0x1D0;
	[tilespmem:s25+$0x30] =	vst v52;
	v59 =	vmov s26;
	v60 =	vor.u32 v5, v55;
	v24 =	vnsel vm0, $0x0, v17;
	v25 =	vld.idx.msk [tilespmem:v25+s13+$0x0], $0xffff  }
0x173: {  	v63 =	vmov s29;
	v52 =	vor.u32 v8, v57;
	v61 =	vshrl.u32 v59, $0x7;
	[tilespmem:s25+$0x70] =	vst v24;
	v24 =	vld.idx.msk [tilespmem:v62+s13+$0x0], $0xffff  }
0x174: {  	[tilespmem:s25+$0x0] =	vst v35;
	v49 =	vnsel vm7, $0x0, v17;
	v62 =	vshll.u32 v61, v0;
	v35 =	vld.idx.msk [tilespmem:v54+s13+$0x0], $0xffff;
	v54 =	vor.u32 v7, v57  }
0x175: {  	v61 =	vshrl.u32 v63, $0x7;
	v19 =	vld.idx.msk [tilespmem:v23+s13+$0x0], $0xffff;
	v23 =	vor.u32 v14, v58;
	v58 =	vor.u32 v3, v51  }
0x176: {  	[tilespmem:s25+$0x10] =	vst v34;
	v59 =	vbroadcast v62, $0x0;
	v34 =	vld.idx.msk [tilespmem:v56+s13+$0x0], $0xffff;
	v56 =	vshll.u32 v61, v0;
	v51 =	vor.u32 v4, v51  }
0x177: {  	s30 =	simm.s32 $0x1E0;
	v53 =	vnsel vm6, $0x0, v17;
	[tilespmem:s25+$0x50] =	vst v49;
	v55 =	vor.u32 v6, v55;
	v49 =	vld.idx.msk [tilespmem:v60+s13+$0x0], $0xffff;
	v56 =	vbroadcast v56, $0x0  }
0x178: {  	v41 =	vnsel vm4, $0x0, v17;
	[tilespmem:s25+$0x40] =	vst v53;
	v62 =	vmov s30;
	v36 =	vld.idx.msk [tilespmem:v52+s13+$0x0], $0xffff;
	v53 =	vor.u32 v9, v59  }
0x179: {  	vm15 =	veq.s32 v42, v48;
	v63 =	vshrl.u32 v62, $0x7;
	v38 =	vld.idx.msk [tilespmem:v54+s13+$0x0], $0xffff;
	v54 =	vor.u32 v12, v56  }
0x17a: {  	[tilespmem:s25+$0x20] =	vst v41;
	v42 =	vnsel vm15, $0x0, v17;
	v40 =	vld.idx.msk [tilespmem:v58+s13+$0x0], $0xffff;
	v58 =	vor.u32 v10, v59;
	v59 =	vshll.u32 v63, v0  }
0x17b: {  	[tilespmem:s25+$0xFFFFFFF0] =	vst v42;
	v60 =	vnsel vm8, $0x0, v17;
	v41 =	vld.idx.msk [tilespmem:v51+s13+$0x0], $0xffff;
	v61 =	vbroadcast v59, $0x0  }
0x17c: {  	v57 =	vnsel vm2, $0x0, v17;
	[tilespmem:s25+$0xFFFFFF80] =	vst v60;
	v51 =	vld.idx.msk [tilespmem:v55+s13+$0x0], $0xffff;
	v55 =	vor.u32 v11, v56  }
0x17d: {  	vm13 =	veq.s32 v43, v46;
	v62 =	vnsel vm9, $0x0, v17;
	[tilespmem:s25+$0x60] =	vst v57;
	v37 =	vld.idx.msk [tilespmem:v53+s13+$0x0], $0xffff;
	v56 =	vor.u32 v13, v61  }
0x17e: {  	vm14 =	veq.s32 v44, v47;
	[tilespmem:s25+$0xFFFFFF90] =	vst v62;
	v62 =	vnsel vm13, $0x0, v17;
	v44 =	vld.idx.msk [tilespmem:v54+s13+$0x0], $0xffff;
	v60 =	vor.u32 v14, v61  }
0x17f: {  	[tilespmem:s25+$0xFFFFFFD0] =	vst v62;
	v23 =	vld.idx.msk [tilespmem:v23+s13+$0x0], $0xffff;
	v63 =	vnsel vm10, $0x0, v17  }
0x180: {  	[tilespmem:s25+$0xFFFFFFA0] =	vst v63;
	v59 =	vnsel vm11, $0x0, v17;
	v39 =	vld.idx.msk [tilespmem:v58+s13+$0x0], $0xffff  }
0x181: {  	vm12 =	veq.s32 v45, v50;
	v63 =	vnsel vm14, $0x0, v17;
	[tilespmem:s25+$0xFFFFFFB0] =	vst v59;
	v43 =	vld.idx.msk [tilespmem:v55+s13+$0x0], $0xffff  }
0x182: {  	s31 =	simm.s32 $0x1F0;
	[tilespmem:s25+$0xFFFFFFE0] =	vst v63;
	v61 =	vnsel vm12, $0x0, v17;
	v45 =	vld.idx.msk [tilespmem:v56+s13+$0x0], $0xffff  }
0x183: {  	v46 =	vmov s31;
	s26 =	simm.s32 $0x200;
	[tilespmem:s25+$0xFFFFFFC0] =	vst v61;
	v42 =	vld.idx.msk [tilespmem:v60+s13+$0x0], $0xffff  }
.LBB2_8:
0x184: {  	p3 =	slt.u32 s26, $0x900;
	v26 =	vld.idx.msk [tilespmem:v26+s4+$0x0], $0xffff;
	v46 =	vshrl.u32 v46, $0x7  }
0x185: {  	v27 =	vld.idx.msk [tilespmem:v27+s4+$0x0], $0xffff;
	v46 =	vshll.u32 v46, v0  }
0x186: {  	v28 =	vld.idx.msk [tilespmem:v28+s4+$0x0], $0xffff;
	v46 =	vbroadcast v46, $0x0  }
0x187: {  	v29 =	vld.idx.msk [tilespmem:v29+s4+$0x0], $0xffff  }
0x188: {  	v30 =	vld.idx.msk [tilespmem:v30+s4+$0x0], $0xffff;
	v47 =	vor.u32 v15, v46  }
0x189: {  	v46 =	vor.u32 v16, v46;
	v31 =	vld.idx.msk [tilespmem:v31+s4+$0x0], $0xffff  }
0x18a: {  	v32 =	vld.idx.msk [tilespmem:v32+s4+$0x0], $0xffff  }
0x18b: {  	v33 =	vld.idx.msk [tilespmem:v33+s4+$0x0], $0xffff  }
0x18c: {  	v34 =	vld.idx.msk [tilespmem:v34+s4+$0x0], $0xffff  }
0x18d: {  	v47 =	vld.idx.msk [tilespmem:v47+s13+$0x0], $0xffff  }
0x18e: {  	v46 =	vld.idx.msk [tilespmem:v46+s13+$0x0], $0xffff  }
0x18f: {  	v35 =	vld.idx.msk [tilespmem:v35+s4+$0x0], $0xffff  }
0x190: {  	v40 =	vld.idx.msk [tilespmem:v40+s4+$0x0], $0xffff  }
0x191: {  	v41 =	vld.idx.msk [tilespmem:v41+s4+$0x0], $0xffff  }
0x192: {  	v48 =	vld.idx.msk [tilespmem:v49+s4+$0x0], $0xffff  }
0x193: {  	v49 =	vld.idx.msk [tilespmem:v51+s4+$0x0], $0xffff  }
0x194: {  	v38 =	vld.idx.msk [tilespmem:v38+s4+$0x0], $0xffff  }
0x195: {  	v47 =	vld.idx.msk [tilespmem:v47+s4+$0x0], $0xffff  }
0x196: {  	v46 =	vld.idx.msk [tilespmem:v46+s4+$0x0], $0xffff  }
0x197: {  	v36 =	vld.idx.msk [tilespmem:v36+s4+$0x0], $0xffff  }
0x198: {  	v37 =	vld.idx.msk [tilespmem:v37+s4+$0x0], $0xffff  }
0x199: {  	v39 =	vld.idx.msk [tilespmem:v39+s4+$0x0], $0xffff  }
0x19a: {  	v43 =	vld.idx.msk [tilespmem:v43+s4+$0x0], $0xffff  }
0x19b: {  	v44 =	vld.idx.msk [tilespmem:v44+s4+$0x0], $0xffff  }
0x19c: {  	v50 =	vmov s26;
	vm0 =	veq.s32 v47, v46;
	v45 =	vld.idx.msk [tilespmem:v45+s4+$0x0], $0xffff  }
0x19d: {  	s25 =	sadd.s32 $0x100, s25;
	vm1 =	veq.s32 v34, v35;
	v46 =	vshrl.u32 v50, $0x7;
	v35 =	vnsel vm0, $0x0, v17;
	v34 =	vld.idx.msk [tilespmem:v42+s4+$0x0], $0xffff  }
0x19e: {  	vm0 =	veq.s32 v40, v41;
	v42 =	vshll.u32 v46, v0;
	v46 =	vnsel vm1, $0x0, v17;
	v19 =	vld.idx.msk [tilespmem:v19+s4+$0x0], $0xffff;
	[tilespmem:s25+$0x70] =	vst v35  }
0x19f: {  	v40 =	vnsel vm0, $0x0, v17;
	vm0 =	veq.s32 v48, v49;
	v35 =	vbroadcast v42, $0x0;
	v18 =	vld.idx.msk [tilespmem:v18+s4+$0x0], $0xffff;
	[tilespmem:s25+$0x0] =	vst v46  }
0x1a0: {  	v21 =	vld.idx.msk [tilespmem:v21+s4+$0x0], $0xffff;
	[tilespmem:s25+$0x10] =	vst v40;
	v40 =	vnsel vm0, $0x0, v17;
	vm0 =	veq.s32 v38, v36  }
0x1a1: {  	v36 =	vor.u32 v1, v35;
	v20 =	vld.idx.msk [tilespmem:v20+s4+$0x0], $0xffff;
	[tilespmem:s25+$0x20] =	vst v40;
	v38 =	vnsel vm0, $0x0, v17;
	vm0 =	veq.s32 v37, v39  }
0x1a2: {  	v37 =	vor.u32 v2, v35;
	v22 =	vld.idx.msk [tilespmem:v22+s4+$0x0], $0xffff;
	[tilespmem:s25+$0x30] =	vst v38;
	v38 =	vnsel vm0, $0x0, v17;
	vm0 =	veq.s32 v43, v44  }
0x1a3: {  	v39 =	vor.u32 v3, v35;
	v23 =	vld.idx.msk [tilespmem:v23+s4+$0x0], $0xffff;
	[tilespmem:s25+$0x40] =	vst v38;
	v38 =	vnsel vm0, $0x0, v17;
	vm0 =	veq.s32 v45, v34  }
0x1a4: {  	vm1 =	veq.s32 v26, v27;
	v34 =	vor.u32 v4, v35;
	v25 =	vld.idx.msk [tilespmem:v25+s4+$0x0], $0xffff;
	[tilespmem:s25+$0x50] =	vst v38;
	v26 =	vnsel vm0, $0x0, v17  }
0x1a5: {  	v27 =	vnsel vm1, $0x0, v17;
	v38 =	vor.u32 v5, v35;
	vm0 =	veq.s32 v28, v29;
	v24 =	vld.idx.msk [tilespmem:v24+s4+$0x0], $0xffff;
	[tilespmem:s25+$0x60] =	vst v26  }
0x1a6: {  	v28 =	vnsel vm0, $0x0, v17;
	vm0 =	veq.s32 v30, v31;
	v26 =	vld.idx.msk [tilespmem:v36+s13+$0x0], $0xffff;
	v36 =	vor.u32 v6, v35;
	[tilespmem:s25+$0xFFFFFF80] =	vst v27  }
0x1a7: {  	v29 =	vnsel vm0, $0x0, v17;
	vm0 =	veq.s32 v32, v33;
	v27 =	vld.idx.msk [tilespmem:v37+s13+$0x0], $0xffff;
	v37 =	vor.u32 v7, v35;
	[tilespmem:s25+$0xFFFFFF90] =	vst v28  }
0x1a8: {  	v33 =	vor.u32 v8, v35;
	v30 =	vnsel vm0, $0x0, v17;
	vm0 =	veq.s32 v19, v18;
	v28 =	vld.idx.msk [tilespmem:v39+s13+$0x0], $0xffff;
	[tilespmem:s25+$0xFFFFFFA0] =	vst v29  }
0x1a9: {  	v18 =	vor.u32 v9, v35;
	v19 =	vnsel vm0, $0x0, v17;
	vm0 =	veq.s32 v21, v20;
	v29 =	vld.idx.msk [tilespmem:v34+s13+$0x0], $0xffff;
	[tilespmem:s25+$0xFFFFFFB0] =	vst v30  }
0x1aa: {  	v20 =	vor.u32 v10, v35;
	v30 =	vld.idx.msk [tilespmem:v38+s13+$0x0], $0xffff;
	[tilespmem:s25+$0xFFFFFFC0] =	vst v19;
	v19 =	vnsel vm0, $0x0, v17;
	vm0 =	veq.s32 v22, v23  }
0x1ab: {  	s28 =	sadd.s32 $0x80, s26;
	v21 =	vor.u32 v11, v35;
	v31 =	vld.idx.msk [tilespmem:v36+s13+$0x0], $0xffff;
	[tilespmem:s25+$0xFFFFFFD0] =	vst v19;
	v19 =	vnsel vm0, $0x0, v17;
	vm0 =	veq.s32 v25, v24  }
0x1ac: {  	v22 =	vor.u32 v12, v35;
	v23 =	vmov s28;
	v32 =	vld.idx.msk [tilespmem:v37+s13+$0x0], $0xffff;
	[tilespmem:s25+$0xFFFFFFE0] =	vst v19;
	v19 =	vnsel vm0, $0x0, v17  }
0x1ad: {  	s28 =	sadd.s32 $0x90, s26;
	v24 =	vor.u32 v13, v35;
	v23 =	vshrl.u32 v23, $0x7;
	v33 =	vld.idx.msk [tilespmem:v33+s13+$0x0], $0xffff;
	[tilespmem:s25+$0xFFFFFFF0] =	vst v19  }
0x1ae: {  	v25 =	vor.u32 v14, v35;
	v34 =	vmov s28;
	v23 =	vshll.u32 v23, v0;
	v19 =	vld.idx.msk [tilespmem:v18+s13+$0x0], $0xffff  }
0x1af: {  	v36 =	vor.u32 v15, v35;
	s28 =	sadd.s32 $0xA0, s26;
	v23 =	vbroadcast v23, $0x0;
	v18 =	vld.idx.msk [tilespmem:v20+s13+$0x0], $0xffff;
	v20 =	vshrl.u32 v34, $0x7  }
0x1b0: {  	v37 =	vmov s28;
	v34 =	vor.u32 v16, v35;
	v21 =	vld.idx.msk [tilespmem:v21+s13+$0x0], $0xffff;
	v35 =	vshll.u32 v20, v0  }
0x1b1: {  	s28 =	sadd.s32 $0xB0, s26;
	v37 =	vshrl.u32 v37, $0x7;
	v38 =	vor.u32 v1, v23;
	v20 =	vld.idx.msk [tilespmem:v22+s13+$0x0], $0xffff;
	v35 =	vbroadcast v35, $0x0  }
0x1b2: {  	v39 =	vor.u32 v2, v23;
	v22 =	vld.idx.msk [tilespmem:v24+s13+$0x0], $0xffff;
	v24 =	vshll.u32 v37, v0;
	v37 =	vmov s28  }
0x1b3: {  	s28 =	sadd.s32 $0xC0, s26;
	v23 =	vld.idx.msk [tilespmem:v25+s13+$0x0], $0xffff;
	v40 =	vor.u32 v3, v35;
	v41 =	vbroadcast v24, $0x0;
	v24 =	vshrl.u32 v37, $0x7  }
0x1b4: {  	v37 =	vmov s28;
	v25 =	vld.idx.msk [tilespmem:v36+s13+$0x0], $0xffff;
	v36 =	vor.u32 v4, v35;
	v35 =	vshll.u32 v24, v0  }
0x1b5: {  	s28 =	sadd.s32 $0xD0, s26;
	v24 =	vld.idx.msk [tilespmem:v34+s13+$0x0], $0xffff;
	v42 =	vor.u32 v5, v41;
	v43 =	vbroadcast v35, $0x0;
	v35 =	vshrl.u32 v37, $0x7  }
0x1b6: {  	v37 =	vor.u32 v6, v41;
	v41 =	vmov s28;
	v34 =	vld.idx.msk [tilespmem:v38+s13+$0x0], $0xffff;
	v38 =	vshll.u32 v35, v0  }
0x1b7: {  	s28 =	sadd.s32 $0xE0, s26;
	v41 =	vshrl.u32 v41, $0x7;
	v35 =	vld.idx.msk [tilespmem:v39+s13+$0x0], $0xffff;
	v39 =	vor.u32 v7, v43;
	v38 =	vbroadcast v38, $0x0  }
0x1b8: {  	v45 =	vmov s28;
	v43 =	vor.u32 v8, v43;
	v44 =	vshll.u32 v41, v0;
	v40 =	vld.idx.msk [tilespmem:v40+s13+$0x0], $0xffff  }
0x1b9: {  	v41 =	vld.idx.msk [tilespmem:v36+s13+$0x0], $0xffff;
	v46 =	vor.u32 v9, v38;
	v36 =	vbroadcast v44, $0x0;
	v44 =	vshrl.u32 v45, $0x7  }
0x1ba: {  	v49 =	vld.idx.msk [tilespmem:v42+s13+$0x0], $0xffff;
	v42 =	vor.u32 v10, v38;
	v38 =	vshll.u32 v44, v0  }
0x1bb: {  	v51 =	vld.idx.msk [tilespmem:v37+s13+$0x0], $0xffff;
	v44 =	vor.u32 v11, v36;
	v45 =	vbroadcast v38, $0x0  }
0x1bc: {  	v47 =	vor.u32 v12, v36;
	v38 =	vld.idx.msk [tilespmem:v39+s13+$0x0], $0xffff  }
0x1bd: {  	v36 =	vld.idx.msk [tilespmem:v43+s13+$0x0], $0xffff;
	v48 =	vor.u32 v13, v45  }
0x1be: {  	v37 =	vld.idx.msk [tilespmem:v46+s13+$0x0], $0xffff;
	v46 =	vor.u32 v14, v45  }
.Ltmp7:
0x1bf: {  	v39 =	vld.idx.msk [tilespmem:v42+s13+$0x0], $0xffff;
	(pc) =	sbr.rel @p3 .LBB2_8-.Ltmp7, $4  }
0x1c0: {  	v43 =	vld.idx.msk [tilespmem:v44+s13+$0x0], $0xffff  }
0x1c1: {  	v44 =	vld.idx.msk [tilespmem:v47+s13+$0x0], $0xffff  }
0x1c2: {  	s28 =	sadd.s32 $0xF0, s26;
	v45 =	vld.idx.msk [tilespmem:v48+s13+$0x0], $0xffff  }
0x1c3: {  	s26 =	sadd.s32 $0x100, s26;
	v42 =	vld.idx.msk [tilespmem:v46+s13+$0x0], $0xffff;
	v46 =	vmov s28  }
0x1c4: {  	_ =	sdelay $0x3  }
0x1c5: {  	v26 =	vld.idx.msk [tilespmem:v26+s4+$0x0], $0xffff  }
0x1c6: {  	v27 =	vld.idx.msk [tilespmem:v27+s4+$0x0], $0xffff  }
0x1c7: {  	v28 =	vld.idx.msk [tilespmem:v28+s4+$0x0], $0xffff  }
0x1c8: {  	v29 =	vld.idx.msk [tilespmem:v29+s4+$0x0], $0xffff  }
0x1c9: {  	v30 =	vld.idx.msk [tilespmem:v30+s4+$0x0], $0xffff  }
0x1ca: {  	v31 =	vld.idx.msk [tilespmem:v31+s4+$0x0], $0xffff  }
0x1cb: {  	v32 =	vld.idx.msk [tilespmem:v32+s4+$0x0], $0xffff  }
0x1cc: {  	v33 =	vld.idx.msk [tilespmem:v33+s4+$0x0], $0xffff  }
0x1cd: {  	v34 =	vld.idx.msk [tilespmem:v34+s4+$0x0], $0xffff  }
0x1ce: {  	v35 =	vld.idx.msk [tilespmem:v35+s4+$0x0], $0xffff  }
0x1cf: {  	v40 =	vld.idx.msk [tilespmem:v40+s4+$0x0], $0xffff  }
0x1d0: {  	v41 =	vld.idx.msk [tilespmem:v41+s4+$0x0], $0xffff  }
0x1d1: {  	v48 =	vld.idx.msk [tilespmem:v49+s4+$0x0], $0xffff  }
0x1d2: {  	v63 =	vld.idx.msk [tilespmem:v51+s4+$0x0], $0xffff  }
0x1d3: {  	v38 =	vld.idx.msk [tilespmem:v38+s4+$0x0], $0xffff  }
0x1d4: {  	v46 =	vshrl.u32 v46, $0x7;
	v36 =	vld.idx.msk [tilespmem:v36+s4+$0x0], $0xffff  }
0x1d5: {  	v37 =	vld.idx.msk [tilespmem:v37+s4+$0x0], $0xffff;
	v46 =	vshll.u32 v46, v0  }
0x1d6: {  	v39 =	vld.idx.msk [tilespmem:v39+s4+$0x0], $0xffff;
	v46 =	vbroadcast v46, $0x0  }
0x1d7: {  	v19 =	vld.idx.msk [tilespmem:v19+s4+$0x0], $0xffff  }
0x1d8: {  	v18 =	vld.idx.msk [tilespmem:v18+s4+$0x0], $0xffff;
	v47 =	vor.u32 v15, v46  }
0x1d9: {  	v21 =	vld.idx.msk [tilespmem:v21+s4+$0x0], $0xffff;
	v46 =	vor.u32 v16, v46  }
0x1da: {  	v20 =	vld.idx.msk [tilespmem:v20+s4+$0x0], $0xffff  }
0x1db: {  	v22 =	vld.idx.msk [tilespmem:v22+s4+$0x0], $0xffff  }
0x1dc: {  	v23 =	vld.idx.msk [tilespmem:v23+s4+$0x0], $0xffff;
	vm1 =	veq.s32 v34, v35  }
0x1dd: {  	s25 =	sadd.s32 $0x100, s25;
	vm14 =	veq.s32 v40, v41;
	v54 =	vnsel vm1, $0x0, v17;
	v47 =	vld.idx.msk [tilespmem:v47+s13+$0x0], $0xffff  }
0x1de: {  	vm15 =	veq.s32 v48, v63;
	v55 =	vnsel vm14, $0x0, v17;
	[tilespmem:s25+$0x0] =	vst v54;
	v46 =	vld.idx.msk [tilespmem:v46+s13+$0x0], $0xffff  }
0x1df: {  	v25 =	vld.idx.msk [tilespmem:v25+s4+$0x0], $0xffff;
	vm4 =	veq.s32 v38, v36;
	v56 =	vnsel vm15, $0x0, v17;
	[tilespmem:s25+$0x10] =	vst v55  }
0x1e0: {  	v24 =	vld.idx.msk [tilespmem:v24+s4+$0x0], $0xffff;
	vm5 =	veq.s32 v37, v39;
	v57 =	vnsel vm4, $0x0, v17;
	[tilespmem:s25+$0x20] =	vst v56  }
0x1e1: {  	v43 =	vld.idx.msk [tilespmem:v43+s4+$0x0], $0xffff;
	vm8 =	veq.s32 v26, v27;
	v58 =	vnsel vm5, $0x0, v17;
	[tilespmem:s25+$0x30] =	vst v57  }
0x1e2: {  	v44 =	vld.idx.msk [tilespmem:v44+s4+$0x0], $0xffff;
	vm9 =	veq.s32 v28, v29;
	v27 =	vnsel vm8, $0x0, v17;
	[tilespmem:s25+$0x40] =	vst v58  }
0x1e3: {  	v45 =	vld.idx.msk [tilespmem:v45+s4+$0x0], $0xffff;
	vm10 =	veq.s32 v30, v31;
	v61 =	vnsel vm9, $0x0, v17;
	[tilespmem:s25+$0xFFFFFF80] =	vst v27  }
0x1e4: {  	v53 =	vld.idx.msk [tilespmem:v42+s4+$0x0], $0xffff;
	vm11 =	veq.s32 v32, v33;
	v62 =	vnsel vm10, $0x0, v17;
	[tilespmem:s25+$0xFFFFFF90] =	vst v61  }
0x1e5: {  	vm12 =	veq.s32 v19, v18;
	v63 =	vnsel vm11, $0x0, v17;
	[tilespmem:s25+$0xFFFFFFA0] =	vst v62;
	v47 =	vld.idx.msk [tilespmem:v47+s4+$0x0], $0xffff  }
0x1e6: {  	vm13 =	veq.s32 v21, v20;
	v18 =	vnsel vm12, $0x0, v17;
	[tilespmem:s25+$0xFFFFFFB0] =	vst v63;
	v46 =	vld.idx.msk [tilespmem:v46+s4+$0x0], $0xffff  }
0x1e7: {  	vm6 =	veq.s32 v43, v44;
	[tilespmem:s25+$0xFFFFFFC0] =	vst v18;
	v18 =	vnsel vm13, $0x0, v17  }
0x1e8: {  	vm14 =	veq.s32 v22, v23;
	v59 =	vnsel vm6, $0x0, v17;
	[tilespmem:s25+$0xFFFFFFD0] =	vst v18  }
0x1e9: {  	s24 =	sshll.u32 s24, $0x5;
	vm15 =	veq.s32 v25, v24;
	v18 =	vnsel vm14, $0x0, v17;
	[tilespmem:s25+$0x50] =	vst v59  }
0x1ea: {  	s24 =	sor.u32 s5, s24;
	vm7 =	veq.s32 v45, v53;
	[tilespmem:s25+$0xFFFFFFE0] =	vst v18;
	v18 =	vnsel vm15, $0x0, v17  }
0x1eb: {  	s24 =	smul.u32 $0x140, s24;
	v60 =	vnsel vm7, $0x0, v17;
	[tilespmem:s25+$0xFFFFFFF0] =	vst v18;
	vm0 =	veq.s32 v47, v46  }
0x1ec: {  	[tilespmem:s25+$0x60] =	vst v60;
	v52 =	vnsel vm0, $0x0, v17  }
0x1ed: {  	s24 =	sadd.s32 s3, s24;
	[tilespmem:s25+$0x70] =	vst v52  }
0x1ee: {  	[hbm4b:s24+s4] =	stream.linear.scatter [tilespmem:s17], [sflag:$0x5], $0xA00, $0x38;
	[tilespmem:$0x1E180] =	vst v63  }
.LBB2_10:
0x1ef: {  	s23 =	sadd.s32 $0x4, s23  }
0x1f0: {  	p3 =	sge.u32 s23, s8  }
0x1f1: {  	s23 =	sshll.u32 @!p3 s23, $0x5  }
0x1f2: {  	s23 =	sor.u32 @!p3 s5, s23  }
0x1f3: {  	s23 =	smul.u32 @!p3 $0x280, s23;
	_ =	sdelay $0x1  }
0x1f4: {  	s24 =	simm.s32 @!p3 $0x0;
	s25 =	simm.s32 @!p3 $0x19B00;
	s23 =	sadd.s32 @!p3 s1, s23  }
0x1f5: {  	[tilespmem:s25], [sflag:$0x2] =	stream.linear.gather @!p3 [hbm4b:s23+s24], $0x1400, $0x38;
	[tilespmem:$0x1E180] =	vst v63  }
0x1f6: {  	s23 =	simm.s32 @!p1 $0x3  }
0x1f7: {  	_ =	swait.ge @!p1 [sflag:s23], $0x1400  }
.Ltmp8:
0x1f8: {  	[sflag:s23] =	ssyncset.done @!p1 $0x0;
	(pc) =	sbr.rel @p1 .LBB2_14-.Ltmp8, $4  }
0x1f9: {  	[sflag:s23] =	ssyncadd.s32 @!p1 $0xFFFFEC00;
	s23 =	simm.s32 @!p2 $0x6  }
0x1fa: {  	_ =	swait.ge @!p2 [sflag:s23], $0xA00  }
0x1fb: {  	[sflag:s23] =	ssyncset.done @!p2 $0x0  }
0x1fc: {  	[sflag:s23] =	ssyncadd.s32 @!p2 $0xFFFFF600  }
0x1fd: {  	s23 =	simm.s32 $0x0  }
0x1fe: {  	v18 =	vmov s23  }
0x1ff: {  	v18 =	vshrl.u32 v18, $0x7  }
0x200: {  	v18 =	vshll.u32 v18, v0  }
0x201: {  	v18 =	vbroadcast v18, $0x0;
	_ =	sdelay $0x1  }
0x202: {  	v19 =	vor.u32 v1, v18  }
0x203: {  	v20 =	vor.u32 v2, v18  }
0x204: {  	v21 =	vor.u32 v3, v18  }
0x205: {  	v22 =	vor.u32 v4, v18  }
0x206: {  	v23 =	vor.u32 v5, v18  }
0x207: {  	v24 =	vor.u32 v6, v18;
	v19 =	vld.idx.msk [tilespmem:v19+s18+$0x0], $0xffff  }
0x208: {  	v25 =	vor.u32 v7, v18;
	v20 =	vld.idx.msk [tilespmem:v20+s18+$0x0], $0xffff  }
0x209: {  	v26 =	vor.u32 v8, v18;
	v21 =	vld.idx.msk [tilespmem:v21+s18+$0x0], $0xffff  }
0x20a: {  	s30 =	simm.s32 $0x80;
	s31 =	simm.s32 $0x90;
	v27 =	vor.u32 v9, v18;
	v22 =	vld.idx.msk [tilespmem:v22+s18+$0x0], $0xffff  }
0x20b: {  	s24 =	simm.s32 $0xA0;
	s25 =	simm.s32 $0xB0;
	v31 =	vmov s30;
	v34 =	vmov s31;
	v28 =	vor.u32 v10, v18;
	v23 =	vld.idx.msk [tilespmem:v23+s18+$0x0], $0xffff  }
0x20c: {  	s26 =	simm.s32 $0xC0;
	s28 =	simm.s32 $0xD0;
	v36 =	vmov s24;
	v38 =	vmov s25;
	v29 =	vor.u32 v11, v18;
	v24 =	vld.idx.msk [tilespmem:v24+s18+$0x0], $0xffff  }
0x20d: {  	s29 =	simm.s32 $0xE0;
	v40 =	vmov s26;
	v55 =	vmov s28;
	v30 =	vor.u32 v12, v18;
	v25 =	vld.idx.msk [tilespmem:v25+s18+$0x0], $0xffff  }
0x20e: {  	v57 =	vmov s29;
	v31 =	vshrl.u32 v31, $0x7;
	v32 =	vor.u32 v13, v18;
	v26 =	vld.idx.msk [tilespmem:v26+s18+$0x0], $0xffff  }
0x20f: {  	v34 =	vshrl.u32 v34, $0x7;
	v31 =	vshll.u32 v31, v0;
	v33 =	vor.u32 v14, v18;
	v27 =	vld.idx.msk [tilespmem:v27+s18+$0x0], $0xffff  }
0x210: {  	v36 =	vshrl.u32 v36, $0x7;
	v31 =	vbroadcast v31, $0x0;
	v35 =	vor.u32 v15, v18;
	v28 =	vld.idx.msk [tilespmem:v28+s18+$0x0], $0xffff  }
0x211: {  	v38 =	vshrl.u32 v38, $0x7;
	v34 =	vshll.u32 v34, v0;
	v18 =	vor.u32 v16, v18;
	v29 =	vld.idx.msk [tilespmem:v29+s18+$0x0], $0xffff  }
0x212: {  	v40 =	vshrl.u32 v40, $0x7;
	v34 =	vbroadcast v34, $0x0;
	v37 =	vor.u32 v1, v31;
	v30 =	vld.idx.msk [tilespmem:v30+s18+$0x0], $0xffff  }
0x213: {  	v36 =	vshll.u32 v36, v0;
	v38 =	vshll.u32 v38, v0;
	v31 =	vor.u32 v2, v31;
	v32 =	vld.idx.msk [tilespmem:v32+s18+$0x0], $0xffff  }
0x214: {  	v54 =	vshll.u32 v40, v0;
	v36 =	vbroadcast v36, $0x0;
	v39 =	vor.u32 v3, v34;
	v33 =	vld.idx.msk [tilespmem:v33+s18+$0x0], $0xffff  }
0x215: {  	v40 =	vshrl.u32 v55, $0x7;
	v38 =	vbroadcast v38, $0x0;
	v34 =	vor.u32 v4, v34;
	v35 =	vld.idx.msk [tilespmem:v35+s18+$0x0], $0xffff  }
0x216: {  	v56 =	vshll.u32 v40, v0;
	v40 =	vshrl.u32 v57, $0x7;
	v41 =	vor.u32 v5, v36;
	v18 =	vld.idx.msk [tilespmem:v18+s18+$0x0], $0xffff  }
0x217: {  	v40 =	vshll.u32 v40, v0;
	v36 =	vor.u32 v6, v36;
	v42 =	vld.idx.msk [tilespmem:v37+s18+$0x0], $0xffff  }
0x218: {  	v43 =	vor.u32 v7, v38;
	v40 =	vbroadcast v40, $0x0;
	v31 =	vld.idx.msk [tilespmem:v31+s18+$0x0], $0xffff  }
0x219: {  	v38 =	vor.u32 v8, v38;
	v44 =	vld.idx.msk [tilespmem:v39+s18+$0x0], $0xffff  }
0x21a: {  	v59 =	vor.u32 v13, v40;
	v37 =	vbroadcast v54, $0x0;
	v34 =	vld.idx.msk [tilespmem:v34+s18+$0x0], $0xffff  }
0x21b: {  	v40 =	vor.u32 v14, v40;
	v41 =	vld.idx.msk [tilespmem:v41+s18+$0x0], $0xffff  }
0x21c: {  	v39 =	vbroadcast v56, $0x0;
	v46 =	vld.idx.msk [tilespmem:v36+s18+$0x0], $0xffff;
	v45 =	vor.u32 v9, v37  }
0x21d: {  	v43 =	vld.idx.msk [tilespmem:v43+s18+$0x0], $0xffff;
	v37 =	vor.u32 v10, v37  }
0x21e: {  	v47 =	vld.idx.msk [tilespmem:v38+s18+$0x0], $0xffff;
	v58 =	vor.u32 v11, v39  }
0x21f: {  	v39 =	vor.u32 v12, v39;
	v51 =	vld.idx.msk [tilespmem:v59+s18+$0x0], $0xffff  }
0x220: {  	v40 =	vld.idx.msk [tilespmem:v40+s18+$0x0], $0xffff  }
0x221: {  	v45 =	vld.idx.msk [tilespmem:v45+s18+$0x0], $0xffff  }
0x222: {  	v48 =	vld.idx.msk [tilespmem:v37+s18+$0x0], $0xffff  }
0x223: {  	v49 =	vld.idx.msk [tilespmem:v58+s18+$0x0], $0xffff  }
0x224: {  	v50 =	vld.idx.msk [tilespmem:v39+s18+$0x0], $0xffff  }
0x225: {  	s30 =	simm.s32 $0xF0;
	v19 =	vld.idx.msk [tilespmem:v19+s4+$0x0], $0xffff  }
0x226: {  	v60 =	vmov s30;
	v20 =	vld.idx.msk [tilespmem:v20+s4+$0x0], $0xffff  }
0x227: {  	v36 =	vshrl.u32 v60, $0x7;
	v21 =	vld.idx.msk [tilespmem:v21+s4+$0x0], $0xffff  }
0x228: {  	v36 =	vshll.u32 v36, v0;
	v22 =	vld.idx.msk [tilespmem:v22+s4+$0x0], $0xffff  }
0x229: {  	v36 =	vbroadcast v36, $0x0;
	v38 =	vld.idx.msk [tilespmem:v23+s4+$0x0], $0xffff  }
0x22a: {  	v39 =	vld.idx.msk [tilespmem:v24+s4+$0x0], $0xffff  }
0x22b: {  	v23 =	vor.u32 v15, v36;
	v24 =	vor.u32 v16, v36;
	v36 =	vld.idx.msk [tilespmem:v25+s4+$0x0], $0xffff  }
0x22c: {  	v37 =	vld.idx.msk [tilespmem:v26+s4+$0x0], $0xffff  }
0x22d: {  	v25 =	vld.idx.msk [tilespmem:v42+s4+$0x0], $0xffff  }
0x22e: {  	v26 =	vld.idx.msk [tilespmem:v31+s4+$0x0], $0xffff  }
0x22f: {  	v31 =	vld.idx.msk [tilespmem:v44+s4+$0x0], $0xffff  }
0x230: {  	v34 =	vld.idx.msk [tilespmem:v34+s4+$0x0], $0xffff  }
0x231: {  	v41 =	vld.idx.msk [tilespmem:v41+s4+$0x0], $0xffff  }
0x232: {  	v52 =	vld.idx.msk [tilespmem:v46+s4+$0x0], $0xffff  }
0x233: {  	v53 =	vld.idx.msk [tilespmem:v43+s4+$0x0], $0xffff  }
0x234: {  	v54 =	vld.idx.msk [tilespmem:v47+s4+$0x0], $0xffff  }
0x235: {  	v43 =	vld.idx.msk [tilespmem:v29+s4+$0x0], $0xffff  }
0x236: {  	v46 =	vld.idx.msk [tilespmem:v30+s4+$0x0], $0xffff  }
0x237: {  	s31 =	simm.s32 $0x100;
	v44 =	vld.idx.msk [tilespmem:v32+s4+$0x0], $0xffff  }
0x238: {  	v61 =	vmov s31;
	v47 =	vld.idx.msk [tilespmem:v33+s4+$0x0], $0xffff  }
0x239: {  	v42 =	vshrl.u32 v61, $0x7;
	v51 =	vld.idx.msk [tilespmem:v51+s4+$0x0], $0xffff  }
0x23a: {  	v42 =	vshll.u32 v42, v0;
	v40 =	vld.idx.msk [tilespmem:v40+s4+$0x0], $0xffff  }
0x23b: {  	v58 =	vbroadcast v42, $0x0;
	v42 =	vld.idx.msk [tilespmem:v35+s4+$0x0], $0xffff  }
0x23c: {  	v23 =	vld.idx.msk [tilespmem:v23+s18+$0x0], $0xffff  }
0x23d: {  	v24 =	vld.idx.msk [tilespmem:v24+s18+$0x0], $0xffff  }
0x23e: {  	v55 =	vld.idx.msk [tilespmem:v45+s4+$0x0], $0xffff  }
0x23f: {  	v56 =	vld.idx.msk [tilespmem:v48+s4+$0x0], $0xffff  }
0x240: {  	v62 =	vor.u32 v7, v58;
	v49 =	vld.idx.msk [tilespmem:v49+s4+$0x0], $0xffff  }
0x241: {  	v57 =	vld.idx.msk [tilespmem:v50+s4+$0x0], $0xffff  }
0x242: {  	s25 =	simm.s32 $0x190;
	v45 =	vld.idx.msk [tilespmem:v27+s4+$0x0], $0xffff  }
0x243: {  	v60 =	vmov s25;
	v63 =	vor.u32 v8, v58;
	v50 =	vld.idx.msk [tilespmem:v28+s4+$0x0], $0xffff  }
0x244: {  	v29 =	vor.u32 v3, v58;
	vm1 =	veq.s32 v25, v26;
	v25 =	vor.u32 v5, v58;
	v48 =	vld.idx.msk [tilespmem:v18+s4+$0x0], $0xffff  }
0x245: {  	v59 =	vor.u32 v11, v58;
	vm8 =	veq.s32 v19, v20;
	v20 =	vor.u32 v12, v58;
	v32 =	vld.idx.msk [tilespmem:v62+s18+$0x0], $0xffff  }
0x246: {  	vm15 =	veq.s32 v31, v34;
	vm4 =	veq.s32 v41, v52;
	v18 =	vor.u32 v6, v58;
	v23 =	vld.idx.msk [tilespmem:v23+s4+$0x0], $0xffff  }
0x247: {  	vm5 =	veq.s32 v53, v54;
	vm9 =	veq.s32 v21, v22;
	v22 =	vor.u32 v13, v58;
	v24 =	vld.idx.msk [tilespmem:v24+s4+$0x0], $0xffff  }
0x248: {  	vm10 =	veq.s32 v38, v39;
	vm11 =	veq.s32 v36, v37;
	v27 =	vor.u32 v1, v58;
	v33 =	vld.idx.msk [tilespmem:v63+s18+$0x0], $0xffff  }
0x249: {  	v35 =	vnsel vm1, $0x0, v17;
	v34 =	vnsel vm15, $0x0, v17;
	v30 =	vld.idx.msk [tilespmem:v25+s18+$0x0], $0xffff;
	v25 =	vor.u32 v10, v58  }
0x24a: {  	s24 =	simm.s32 $0x180;
	s28 =	simm.s32 $0x1B0;
	v52 =	vnsel vm5, $0x0, v17;
	v28 =	vor.u32 v2, v58;
	vm2 =	veq.s32 v51, v40;
	v20 =	vld.idx.msk [tilespmem:v20+s18+$0x0], $0xffff  }
0x24b: {  	v51 =	vshrl.u32 v60, $0x7;
	v60 =	vmov s28;
	v31 =	vld.idx.msk [tilespmem:v18+s18+$0x0], $0xffff;
	v18 =	vmov s24  }
0x24c: {  	v22 =	vld.idx.msk [tilespmem:v22+s18+$0x0], $0xffff;
	v18 =	vshrl.u32 v18, $0x7;
	vm0 =	veq.s32 v23, v24;
	v23 =	vor.u32 v4, v58  }
0x24d: {  	s26 =	simm.s32 $0x1A0;
	v51 =	vshll.u32 v51, v0;
	v62 =	vor.u32 v16, v58;
	v26 =	vld.idx.msk [tilespmem:v27+s18+$0x0], $0xffff;
	v21 =	vshll.u32 v18, v0  }
0x24e: {  	v63 =	vmov s26;
	v18 =	vld.idx.msk [tilespmem:v25+s18+$0x0], $0xffff;
	v25 =	vor.u32 v15, v58;
	v61 =	vbroadcast v21, $0x0  }
0x24f: {  	v27 =	vld.idx.msk [tilespmem:v28+s18+$0x0], $0xffff;
	vm6 =	veq.s32 v55, v56;
	vm7 =	veq.s32 v49, v57;
	v55 =	vshrl.u32 v63, $0x7  }
0x250: {  	v28 =	vld.idx.msk [tilespmem:v29+s18+$0x0], $0xffff;
	v57 =	vshrl.u32 v60, $0x7;
	v55 =	vshll.u32 v55, v0;
	v54 =	vor.u32 v2, v61  }
0x251: {  	v57 =	vshll.u32 v57, v0;
	v55 =	vbroadcast v55, $0x0;
	v29 =	vld.idx.msk [tilespmem:v23+s18+$0x0], $0xffff;
	v23 =	vor.u32 v9, v58  }
0x252: {  	s23 =	simm.s32 $0x1D780;
	v51 =	vbroadcast v51, $0x0;
	s24 =	simm.s32 $0x1C0;
	v57 =	vbroadcast v57, $0x0;
	v21 =	vld.idx.msk [tilespmem:v59+s18+$0x0], $0xffff;
	v56 =	vor.u32 v1, v61  }
0x253: {  	s29 =	simm.s32 $0x1D0;
	[tilespmem:s23+$0x30] =	vst v52;
	v59 =	vmov s24;
	v60 =	vor.u32 v5, v55;
	v24 =	vnsel vm0, $0x0, v17;
	v25 =	vld.idx.msk [tilespmem:v25+s18+$0x0], $0xffff  }
0x254: {  	v63 =	vmov s29;
	v52 =	vor.u32 v8, v57;
	v61 =	vshrl.u32 v59, $0x7;
	[tilespmem:s23+$0x70] =	vst v24;
	v24 =	vld.idx.msk [tilespmem:v62+s18+$0x0], $0xffff  }
0x255: {  	[tilespmem:s23+$0x0] =	vst v35;
	v49 =	vnsel vm7, $0x0, v17;
	v62 =	vshll.u32 v61, v0;
	v35 =	vld.idx.msk [tilespmem:v54+s18+$0x0], $0xffff;
	v54 =	vor.u32 v7, v57  }
0x256: {  	v61 =	vshrl.u32 v63, $0x7;
	v19 =	vld.idx.msk [tilespmem:v23+s18+$0x0], $0xffff;
	v23 =	vor.u32 v14, v58;
	v58 =	vor.u32 v3, v51  }
0x257: {  	[tilespmem:s23+$0x10] =	vst v34;
	v59 =	vbroadcast v62, $0x0;
	v34 =	vld.idx.msk [tilespmem:v56+s18+$0x0], $0xffff;
	v56 =	vshll.u32 v61, v0;
	v51 =	vor.u32 v4, v51  }
0x258: {  	s30 =	simm.s32 $0x1E0;
	v53 =	vnsel vm6, $0x0, v17;
	[tilespmem:s23+$0x50] =	vst v49;
	v55 =	vor.u32 v6, v55;
	v49 =	vld.idx.msk [tilespmem:v60+s18+$0x0], $0xffff;
	v56 =	vbroadcast v56, $0x0  }
0x259: {  	v41 =	vnsel vm4, $0x0, v17;
	[tilespmem:s23+$0x40] =	vst v53;
	v62 =	vmov s30;
	v36 =	vld.idx.msk [tilespmem:v52+s18+$0x0], $0xffff;
	v53 =	vor.u32 v9, v59  }
0x25a: {  	vm15 =	veq.s32 v42, v48;
	v63 =	vshrl.u32 v62, $0x7;
	v38 =	vld.idx.msk [tilespmem:v54+s18+$0x0], $0xffff;
	v54 =	vor.u32 v12, v56  }
0x25b: {  	[tilespmem:s23+$0x20] =	vst v41;
	v42 =	vnsel vm15, $0x0, v17;
	v40 =	vld.idx.msk [tilespmem:v58+s18+$0x0], $0xffff;
	v58 =	vor.u32 v10, v59;
	v59 =	vshll.u32 v63, v0  }
0x25c: {  	[tilespmem:s23+$0xFFFFFFF0] =	vst v42;
	v60 =	vnsel vm8, $0x0, v17;
	v41 =	vld.idx.msk [tilespmem:v51+s18+$0x0], $0xffff;
	v61 =	vbroadcast v59, $0x0  }
0x25d: {  	v57 =	vnsel vm2, $0x0, v17;
	[tilespmem:s23+$0xFFFFFF80] =	vst v60;
	v51 =	vld.idx.msk [tilespmem:v55+s18+$0x0], $0xffff;
	v55 =	vor.u32 v11, v56  }
0x25e: {  	vm13 =	veq.s32 v43, v46;
	v62 =	vnsel vm9, $0x0, v17;
	[tilespmem:s23+$0x60] =	vst v57;
	v37 =	vld.idx.msk [tilespmem:v53+s18+$0x0], $0xffff;
	v56 =	vor.u32 v13, v61  }
0x25f: {  	vm14 =	veq.s32 v44, v47;
	[tilespmem:s23+$0xFFFFFF90] =	vst v62;
	v62 =	vnsel vm13, $0x0, v17;
	v44 =	vld.idx.msk [tilespmem:v54+s18+$0x0], $0xffff;
	v60 =	vor.u32 v14, v61  }
0x260: {  	[tilespmem:s23+$0xFFFFFFD0] =	vst v62;
	v23 =	vld.idx.msk [tilespmem:v23+s18+$0x0], $0xffff;
	v63 =	vnsel vm10, $0x0, v17  }
0x261: {  	[tilespmem:s23+$0xFFFFFFA0] =	vst v63;
	v59 =	vnsel vm11, $0x0, v17;
	v39 =	vld.idx.msk [tilespmem:v58+s18+$0x0], $0xffff  }
0x262: {  	vm12 =	veq.s32 v45, v50;
	v63 =	vnsel vm14, $0x0, v17;
	[tilespmem:s23+$0xFFFFFFB0] =	vst v59;
	v43 =	vld.idx.msk [tilespmem:v55+s18+$0x0], $0xffff  }
0x263: {  	s31 =	simm.s32 $0x1F0;
	[tilespmem:s23+$0xFFFFFFE0] =	vst v63;
	v61 =	vnsel vm12, $0x0, v17;
	v45 =	vld.idx.msk [tilespmem:v56+s18+$0x0], $0xffff  }
0x264: {  	v46 =	vmov s31;
	s24 =	simm.s32 $0x200;
	[tilespmem:s23+$0xFFFFFFC0] =	vst v61;
	v42 =	vld.idx.msk [tilespmem:v60+s18+$0x0], $0xffff  }
.LBB2_12:
0x265: {  	p1 =	slt.u32 s24, $0x900;
	v26 =	vld.idx.msk [tilespmem:v26+s4+$0x0], $0xffff;
	v46 =	vshrl.u32 v46, $0x7  }
0x266: {  	v27 =	vld.idx.msk [tilespmem:v27+s4+$0x0], $0xffff;
	v46 =	vshll.u32 v46, v0  }
0x267: {  	v28 =	vld.idx.msk [tilespmem:v28+s4+$0x0], $0xffff;
	v46 =	vbroadcast v46, $0x0  }
0x268: {  	v29 =	vld.idx.msk [tilespmem:v29+s4+$0x0], $0xffff  }
0x269: {  	v30 =	vld.idx.msk [tilespmem:v30+s4+$0x0], $0xffff;
	v47 =	vor.u32 v15, v46  }
0x26a: {  	v46 =	vor.u32 v16, v46;
	v31 =	vld.idx.msk [tilespmem:v31+s4+$0x0], $0xffff  }
0x26b: {  	v32 =	vld.idx.msk [tilespmem:v32+s4+$0x0], $0xffff  }
0x26c: {  	v33 =	vld.idx.msk [tilespmem:v33+s4+$0x0], $0xffff  }
0x26d: {  	v34 =	vld.idx.msk [tilespmem:v34+s4+$0x0], $0xffff  }
0x26e: {  	v47 =	vld.idx.msk [tilespmem:v47+s18+$0x0], $0xffff  }
0x26f: {  	v46 =	vld.idx.msk [tilespmem:v46+s18+$0x0], $0xffff  }
0x270: {  	v35 =	vld.idx.msk [tilespmem:v35+s4+$0x0], $0xffff  }
0x271: {  	v40 =	vld.idx.msk [tilespmem:v40+s4+$0x0], $0xffff  }
0x272: {  	v41 =	vld.idx.msk [tilespmem:v41+s4+$0x0], $0xffff  }
0x273: {  	v48 =	vld.idx.msk [tilespmem:v49+s4+$0x0], $0xffff  }
0x274: {  	v49 =	vld.idx.msk [tilespmem:v51+s4+$0x0], $0xffff  }
0x275: {  	v38 =	vld.idx.msk [tilespmem:v38+s4+$0x0], $0xffff  }
0x276: {  	v47 =	vld.idx.msk [tilespmem:v47+s4+$0x0], $0xffff  }
0x277: {  	v46 =	vld.idx.msk [tilespmem:v46+s4+$0x0], $0xffff  }
0x278: {  	v36 =	vld.idx.msk [tilespmem:v36+s4+$0x0], $0xffff  }
0x279: {  	v37 =	vld.idx.msk [tilespmem:v37+s4+$0x0], $0xffff  }
0x27a: {  	v39 =	vld.idx.msk [tilespmem:v39+s4+$0x0], $0xffff  }
0x27b: {  	v43 =	vld.idx.msk [tilespmem:v43+s4+$0x0], $0xffff  }
0x27c: {  	v44 =	vld.idx.msk [tilespmem:v44+s4+$0x0], $0xffff  }
0x27d: {  	v50 =	vmov s24;
	vm0 =	veq.s32 v47, v46;
	v45 =	vld.idx.msk [tilespmem:v45+s4+$0x0], $0xffff  }
0x27e: {  	s23 =	sadd.s32 $0x100, s23;
	vm1 =	veq.s32 v34, v35;
	v46 =	vshrl.u32 v50, $0x7;
	v35 =	vnsel vm0, $0x0, v17;
	v34 =	vld.idx.msk [tilespmem:v42+s4+$0x0], $0xffff  }
0x27f: {  	vm0 =	veq.s32 v40, v41;
	v42 =	vshll.u32 v46, v0;
	v46 =	vnsel vm1, $0x0, v17;
	v19 =	vld.idx.msk [tilespmem:v19+s4+$0x0], $0xffff;
	[tilespmem:s23+$0x70] =	vst v35  }
0x280: {  	v40 =	vnsel vm0, $0x0, v17;
	vm0 =	veq.s32 v48, v49;
	v35 =	vbroadcast v42, $0x0;
	v18 =	vld.idx.msk [tilespmem:v18+s4+$0x0], $0xffff;
	[tilespmem:s23+$0x0] =	vst v46  }
0x281: {  	v21 =	vld.idx.msk [tilespmem:v21+s4+$0x0], $0xffff;
	[tilespmem:s23+$0x10] =	vst v40;
	v40 =	vnsel vm0, $0x0, v17;
	vm0 =	veq.s32 v38, v36  }
0x282: {  	v36 =	vor.u32 v1, v35;
	v20 =	vld.idx.msk [tilespmem:v20+s4+$0x0], $0xffff;
	[tilespmem:s23+$0x20] =	vst v40;
	v38 =	vnsel vm0, $0x0, v17;
	vm0 =	veq.s32 v37, v39  }
0x283: {  	v37 =	vor.u32 v2, v35;
	v22 =	vld.idx.msk [tilespmem:v22+s4+$0x0], $0xffff;
	[tilespmem:s23+$0x30] =	vst v38;
	v38 =	vnsel vm0, $0x0, v17;
	vm0 =	veq.s32 v43, v44  }
0x284: {  	v39 =	vor.u32 v3, v35;
	v23 =	vld.idx.msk [tilespmem:v23+s4+$0x0], $0xffff;
	[tilespmem:s23+$0x40] =	vst v38;
	v38 =	vnsel vm0, $0x0, v17;
	vm0 =	veq.s32 v45, v34  }
0x285: {  	vm1 =	veq.s32 v26, v27;
	v34 =	vor.u32 v4, v35;
	v25 =	vld.idx.msk [tilespmem:v25+s4+$0x0], $0xffff;
	[tilespmem:s23+$0x50] =	vst v38;
	v26 =	vnsel vm0, $0x0, v17  }
0x286: {  	v27 =	vnsel vm1, $0x0, v17;
	v38 =	vor.u32 v5, v35;
	vm0 =	veq.s32 v28, v29;
	v24 =	vld.idx.msk [tilespmem:v24+s4+$0x0], $0xffff;
	[tilespmem:s23+$0x60] =	vst v26  }
0x287: {  	v28 =	vnsel vm0, $0x0, v17;
	vm0 =	veq.s32 v30, v31;
	v26 =	vld.idx.msk [tilespmem:v36+s18+$0x0], $0xffff;
	v36 =	vor.u32 v6, v35;
	[tilespmem:s23+$0xFFFFFF80] =	vst v27  }
0x288: {  	v29 =	vnsel vm0, $0x0, v17;
	vm0 =	veq.s32 v32, v33;
	v27 =	vld.idx.msk [tilespmem:v37+s18+$0x0], $0xffff;
	v37 =	vor.u32 v7, v35;
	[tilespmem:s23+$0xFFFFFF90] =	vst v28  }
0x289: {  	v33 =	vor.u32 v8, v35;
	v30 =	vnsel vm0, $0x0, v17;
	vm0 =	veq.s32 v19, v18;
	v28 =	vld.idx.msk [tilespmem:v39+s18+$0x0], $0xffff;
	[tilespmem:s23+$0xFFFFFFA0] =	vst v29  }
0x28a: {  	v18 =	vor.u32 v9, v35;
	v19 =	vnsel vm0, $0x0, v17;
	vm0 =	veq.s32 v21, v20;
	v29 =	vld.idx.msk [tilespmem:v34+s18+$0x0], $0xffff;
	[tilespmem:s23+$0xFFFFFFB0] =	vst v30  }
0x28b: {  	v20 =	vor.u32 v10, v35;
	v30 =	vld.idx.msk [tilespmem:v38+s18+$0x0], $0xffff;
	[tilespmem:s23+$0xFFFFFFC0] =	vst v19;
	v19 =	vnsel vm0, $0x0, v17;
	vm0 =	veq.s32 v22, v23  }
0x28c: {  	s25 =	sadd.s32 $0x80, s24;
	v21 =	vor.u32 v11, v35;
	v31 =	vld.idx.msk [tilespmem:v36+s18+$0x0], $0xffff;
	[tilespmem:s23+$0xFFFFFFD0] =	vst v19;
	v19 =	vnsel vm0, $0x0, v17;
	vm0 =	veq.s32 v25, v24  }
0x28d: {  	v22 =	vor.u32 v12, v35;
	v23 =	vmov s25;
	v32 =	vld.idx.msk [tilespmem:v37+s18+$0x0], $0xffff;
	[tilespmem:s23+$0xFFFFFFE0] =	vst v19;
	v19 =	vnsel vm0, $0x0, v17  }
0x28e: {  	s25 =	sadd.s32 $0x90, s24;
	v24 =	vor.u32 v13, v35;
	v23 =	vshrl.u32 v23, $0x7;
	v33 =	vld.idx.msk [tilespmem:v33+s18+$0x0], $0xffff;
	[tilespmem:s23+$0xFFFFFFF0] =	vst v19  }
0x28f: {  	v25 =	vor.u32 v14, v35;
	v34 =	vmov s25;
	v23 =	vshll.u32 v23, v0;
	v19 =	vld.idx.msk [tilespmem:v18+s18+$0x0], $0xffff  }
0x290: {  	v36 =	vor.u32 v15, v35;
	s25 =	sadd.s32 $0xA0, s24;
	v23 =	vbroadcast v23, $0x0;
	v18 =	vld.idx.msk [tilespmem:v20+s18+$0x0], $0xffff;
	v20 =	vshrl.u32 v34, $0x7  }
0x291: {  	v37 =	vmov s25;
	v34 =	vor.u32 v16, v35;
	v21 =	vld.idx.msk [tilespmem:v21+s18+$0x0], $0xffff;
	v35 =	vshll.u32 v20, v0  }
0x292: {  	s25 =	sadd.s32 $0xB0, s24;
	v37 =	vshrl.u32 v37, $0x7;
	v38 =	vor.u32 v1, v23;
	v20 =	vld.idx.msk [tilespmem:v22+s18+$0x0], $0xffff;
	v35 =	vbroadcast v35, $0x0  }
0x293: {  	v39 =	vor.u32 v2, v23;
	v22 =	vld.idx.msk [tilespmem:v24+s18+$0x0], $0xffff;
	v24 =	vshll.u32 v37, v0;
	v37 =	vmov s25  }
0x294: {  	s25 =	sadd.s32 $0xC0, s24;
	v23 =	vld.idx.msk [tilespmem:v25+s18+$0x0], $0xffff;
	v40 =	vor.u32 v3, v35;
	v41 =	vbroadcast v24, $0x0;
	v24 =	vshrl.u32 v37, $0x7  }
0x295: {  	v37 =	vmov s25;
	v25 =	vld.idx.msk [tilespmem:v36+s18+$0x0], $0xffff;
	v36 =	vor.u32 v4, v35;
	v35 =	vshll.u32 v24, v0  }
0x296: {  	s25 =	sadd.s32 $0xD0, s24;
	v24 =	vld.idx.msk [tilespmem:v34+s18+$0x0], $0xffff;
	v42 =	vor.u32 v5, v41;
	v43 =	vbroadcast v35, $0x0;
	v35 =	vshrl.u32 v37, $0x7  }
0x297: {  	v37 =	vor.u32 v6, v41;
	v41 =	vmov s25;
	v34 =	vld.idx.msk [tilespmem:v38+s18+$0x0], $0xffff;
	v38 =	vshll.u32 v35, v0  }
0x298: {  	s25 =	sadd.s32 $0xE0, s24;
	v41 =	vshrl.u32 v41, $0x7;
	v35 =	vld.idx.msk [tilespmem:v39+s18+$0x0], $0xffff;
	v39 =	vor.u32 v7, v43;
	v38 =	vbroadcast v38, $0x0  }
0x299: {  	v45 =	vmov s25;
	v43 =	vor.u32 v8, v43;
	v44 =	vshll.u32 v41, v0;
	v40 =	vld.idx.msk [tilespmem:v40+s18+$0x0], $0xffff  }
0x29a: {  	v41 =	vld.idx.msk [tilespmem:v36+s18+$0x0], $0xffff;
	v46 =	vor.u32 v9, v38;
	v36 =	vbroadcast v44, $0x0;
	v44 =	vshrl.u32 v45, $0x7  }
0x29b: {  	v49 =	vld.idx.msk [tilespmem:v42+s18+$0x0], $0xffff;
	v42 =	vor.u32 v10, v38;
	v38 =	vshll.u32 v44, v0  }
0x29c: {  	v51 =	vld.idx.msk [tilespmem:v37+s18+$0x0], $0xffff;
	v44 =	vor.u32 v11, v36;
	v45 =	vbroadcast v38, $0x0  }
0x29d: {  	v47 =	vor.u32 v12, v36;
	v38 =	vld.idx.msk [tilespmem:v39+s18+$0x0], $0xffff  }
0x29e: {  	v36 =	vld.idx.msk [tilespmem:v43+s18+$0x0], $0xffff;
	v48 =	vor.u32 v13, v45  }
0x29f: {  	v37 =	vld.idx.msk [tilespmem:v46+s18+$0x0], $0xffff;
	v46 =	vor.u32 v14, v45  }
.Ltmp9:
0x2a0: {  	v39 =	vld.idx.msk [tilespmem:v42+s18+$0x0], $0xffff;
	(pc) =	sbr.rel @p1 .LBB2_12-.Ltmp9, $4  }
0x2a1: {  	v43 =	vld.idx.msk [tilespmem:v44+s18+$0x0], $0xffff  }
0x2a2: {  	v44 =	vld.idx.msk [tilespmem:v47+s18+$0x0], $0xffff  }
0x2a3: {  	s25 =	sadd.s32 $0xF0, s24;
	v45 =	vld.idx.msk [tilespmem:v48+s18+$0x0], $0xffff  }
0x2a4: {  	s24 =	sadd.s32 $0x100, s24;
	v42 =	vld.idx.msk [tilespmem:v46+s18+$0x0], $0xffff;
	v46 =	vmov s25  }
0x2a5: {  	_ =	sdelay $0x3  }
0x2a6: {  	v26 =	vld.idx.msk [tilespmem:v26+s4+$0x0], $0xffff  }
0x2a7: {  	v27 =	vld.idx.msk [tilespmem:v27+s4+$0x0], $0xffff  }
0x2a8: {  	v28 =	vld.idx.msk [tilespmem:v28+s4+$0x0], $0xffff  }
0x2a9: {  	v29 =	vld.idx.msk [tilespmem:v29+s4+$0x0], $0xffff  }
0x2aa: {  	v30 =	vld.idx.msk [tilespmem:v30+s4+$0x0], $0xffff  }
0x2ab: {  	v31 =	vld.idx.msk [tilespmem:v31+s4+$0x0], $0xffff  }
0x2ac: {  	v32 =	vld.idx.msk [tilespmem:v32+s4+$0x0], $0xffff  }
0x2ad: {  	v33 =	vld.idx.msk [tilespmem:v33+s4+$0x0], $0xffff  }
0x2ae: {  	v34 =	vld.idx.msk [tilespmem:v34+s4+$0x0], $0xffff  }
0x2af: {  	v35 =	vld.idx.msk [tilespmem:v35+s4+$0x0], $0xffff  }
0x2b0: {  	v40 =	vld.idx.msk [tilespmem:v40+s4+$0x0], $0xffff  }
0x2b1: {  	v41 =	vld.idx.msk [tilespmem:v41+s4+$0x0], $0xffff  }
0x2b2: {  	v48 =	vld.idx.msk [tilespmem:v49+s4+$0x0], $0xffff  }
0x2b3: {  	v63 =	vld.idx.msk [tilespmem:v51+s4+$0x0], $0xffff  }
0x2b4: {  	v38 =	vld.idx.msk [tilespmem:v38+s4+$0x0], $0xffff  }
0x2b5: {  	v46 =	vshrl.u32 v46, $0x7;
	v36 =	vld.idx.msk [tilespmem:v36+s4+$0x0], $0xffff  }
0x2b6: {  	v37 =	vld.idx.msk [tilespmem:v37+s4+$0x0], $0xffff;
	v46 =	vshll.u32 v46, v0  }
0x2b7: {  	v39 =	vld.idx.msk [tilespmem:v39+s4+$0x0], $0xffff;
	v46 =	vbroadcast v46, $0x0  }
0x2b8: {  	v19 =	vld.idx.msk [tilespmem:v19+s4+$0x0], $0xffff  }
0x2b9: {  	v18 =	vld.idx.msk [tilespmem:v18+s4+$0x0], $0xffff;
	v47 =	vor.u32 v15, v46  }
0x2ba: {  	v21 =	vld.idx.msk [tilespmem:v21+s4+$0x0], $0xffff;
	v46 =	vor.u32 v16, v46  }
0x2bb: {  	v20 =	vld.idx.msk [tilespmem:v20+s4+$0x0], $0xffff  }
0x2bc: {  	v22 =	vld.idx.msk [tilespmem:v22+s4+$0x0], $0xffff  }
0x2bd: {  	v23 =	vld.idx.msk [tilespmem:v23+s4+$0x0], $0xffff;
	vm1 =	veq.s32 v34, v35  }
0x2be: {  	s23 =	sadd.s32 $0x100, s23;
	vm14 =	veq.s32 v40, v41;
	v54 =	vnsel vm1, $0x0, v17;
	v47 =	vld.idx.msk [tilespmem:v47+s18+$0x0], $0xffff  }
0x2bf: {  	vm15 =	veq.s32 v48, v63;
	v55 =	vnsel vm14, $0x0, v17;
	[tilespmem:s23+$0x0] =	vst v54;
	v46 =	vld.idx.msk [tilespmem:v46+s18+$0x0], $0xffff  }
0x2c0: {  	v25 =	vld.idx.msk [tilespmem:v25+s4+$0x0], $0xffff;
	vm4 =	veq.s32 v38, v36;
	v56 =	vnsel vm15, $0x0, v17;
	[tilespmem:s23+$0x10] =	vst v55  }
0x2c1: {  	v24 =	vld.idx.msk [tilespmem:v24+s4+$0x0], $0xffff;
	vm5 =	veq.s32 v37, v39;
	v57 =	vnsel vm4, $0x0, v17;
	[tilespmem:s23+$0x20] =	vst v56  }
0x2c2: {  	v43 =	vld.idx.msk [tilespmem:v43+s4+$0x0], $0xffff;
	vm8 =	veq.s32 v26, v27;
	v58 =	vnsel vm5, $0x0, v17;
	[tilespmem:s23+$0x30] =	vst v57  }
0x2c3: {  	v44 =	vld.idx.msk [tilespmem:v44+s4+$0x0], $0xffff;
	vm9 =	veq.s32 v28, v29;
	v27 =	vnsel vm8, $0x0, v17;
	[tilespmem:s23+$0x40] =	vst v58  }
0x2c4: {  	v45 =	vld.idx.msk [tilespmem:v45+s4+$0x0], $0xffff;
	vm10 =	veq.s32 v30, v31;
	v61 =	vnsel vm9, $0x0, v17;
	[tilespmem:s23+$0xFFFFFF80] =	vst v27  }
0x2c5: {  	v53 =	vld.idx.msk [tilespmem:v42+s4+$0x0], $0xffff;
	vm11 =	veq.s32 v32, v33;
	v62 =	vnsel vm10, $0x0, v17;
	[tilespmem:s23+$0xFFFFFF90] =	vst v61  }
0x2c6: {  	vm12 =	veq.s32 v19, v18;
	v63 =	vnsel vm11, $0x0, v17;
	[tilespmem:s23+$0xFFFFFFA0] =	vst v62;
	v47 =	vld.idx.msk [tilespmem:v47+s4+$0x0], $0xffff  }
0x2c7: {  	vm13 =	veq.s32 v21, v20;
	v18 =	vnsel vm12, $0x0, v17;
	[tilespmem:s23+$0xFFFFFFB0] =	vst v63;
	v46 =	vld.idx.msk [tilespmem:v46+s4+$0x0], $0xffff  }
0x2c8: {  	vm6 =	veq.s32 v43, v44;
	[tilespmem:s23+$0xFFFFFFC0] =	vst v18;
	v18 =	vnsel vm13, $0x0, v17  }
0x2c9: {  	vm14 =	veq.s32 v22, v23;
	v59 =	vnsel vm6, $0x0, v17;
	[tilespmem:s23+$0xFFFFFFD0] =	vst v18  }
0x2ca: {  	s22 =	sshll.u32 s22, $0x5;
	vm15 =	veq.s32 v25, v24;
	v18 =	vnsel vm14, $0x0, v17;
	[tilespmem:s23+$0x50] =	vst v59  }
.Ltmp10:
0x2cb: {  	s22 =	sor.u32 s5, s22;
	vm7 =	veq.s32 v45, v53;
	[tilespmem:s23+$0xFFFFFFE0] =	vst v18;
	v18 =	vnsel vm15, $0x0, v17;
	(pc) =	sbr.rel .LBB2_14-.Ltmp10, $4  }
0x2cc: {  	s22 =	smul.u32 $0x140, s22;
	v60 =	vnsel vm7, $0x0, v17;
	[tilespmem:s23+$0xFFFFFFF0] =	vst v18;
	vm0 =	veq.s32 v47, v46  }
0x2cd: {  	[tilespmem:s23+$0x60] =	vst v60;
	v52 =	vnsel vm0, $0x0, v17  }
0x2ce: {  	s22 =	sadd.s32 s3, s22;
	[tilespmem:s23+$0x70] =	vst v52  }
0x2cf: {  	[hbm4b:s22+s4] =	stream.linear.scatter [tilespmem:s19], [sflag:$0x6], $0xA00, $0x38;
	[tilespmem:$0x1E180] =	vst v63  }
.LBB2_16:
0x2d0: {  	_ =	sfence.sel $0x180000  }
0x2d1: {  	[bflag:$0x0] =	sbarrier.arrive $0xFFFF  }
0x2d2: {  	p0 =	sne.s32 s2, $0x0;
	_ =	strace $0x90000047  }
0x2d3: {  	s0 =	sadd.s32 @!p0 $0x100000, s0;
	[bflag:$0x2] =	sbarrier.arrive $0xFFFF  }
0x2d4: {  	[sflag:s0] =	ssyncadd.tile.s32 @!p0 $0x1;
	_ =	shalt  }
.Lfunc_end2:
_tile_overlayer_lowered:
.L_overlay_start_2:
0x2d5: {  	(tag) =	ssettag $0x2  }
0x2d6: {  	s0 =	rddreg [dreg:$0x0];
	s2 =	stileid.u32  }
0x2d7: {  	s1 =	rddreg [dreg:$0x1];
	p0 =	sne.s32 s2, $0x0  }
0x2d8: {  	s3 =	rddreg [dreg:$0x2];
	[bflag:$0x3] =	sbarrier.arrive $0xFFFF;
	s2 =	simm.s32 @!p0 $0x1C07  }
0x2d9: {  	[timem:s3], [sflag:s2] =	dma.local @!p0 [hbm:s0], s1  }
0x2da: {  	s0 =	simm.s32 @!p0 $0x7  }
0x2db: {  	_ =	swait.ge @!p0 [sflag:s0], s1  }
0x2dc: {  	s1 =	ssub.s32 @!p0 $0x0, s1;
	[sflag:s0] =	ssyncset.done @!p0 $0x0  }
0x2dd: {  	[sflag:s0] =	ssyncadd.s32 @!p0 s1  }
0x2de: {  	[bflag:$0x3] =	sbarrier.arrive $0xFFFF  }
0x2df: {  	_ =	shalt  }

</sc_bundles>
